<compile_context>
chip_gen: v7x
topology: tpu7x:2x2x1
jax: 0.10.2.dev20260603
libtpu: 0.0.44.dev20260713+nightly
codegen_flags: <defaults>
</compile_context>

<pallas_src>
import jax
import jax.numpy as jnp
from jax import lax
from jax.experimental import pallas as pl
from jax.experimental.pallas import tpu as pltpu
from jax.experimental.pallas import tpu_sc as plsc

N = 16384
D = 49152
INTER = 768
OUT = 32
NNZ = 524288

NC = 2
NS = 16
NW = NC * NS
RPW = N // NW
CH = 2048
STEPS = CH // 16


def _body(bounds_h, bi_h, ai_h, val_h, w2_h, out_h,
          bounds_s, bounds_sh, wv, acc, bbuf, abuf, vbuf, obuf):
    cid = lax.axis_index("c")
    sid = lax.axis_index("s")
    wid = sid * NC + cid
    base_row = wid * RPW

    pltpu.sync_copy(bounds_h, bounds_sh)
    pltpu.sync_copy(bounds_sh, bounds_s)
    pltpu.sync_copy(w2_h, wv)

    iota = lax.iota(jnp.int32, 16)
    zero16 = jnp.zeros((16,), jnp.float32)

    def _z(i, _):
        acc[pl.ds(i * 16, 16)] = zero16
        return 0
    lax.fori_loop(0, RPW * 64 // 16, _z, 0)

    lo = bounds_s[wid]
    hi = bounds_s[wid + 1]
    lo8 = jnp.bitwise_and(lo, jnp.int32(-8))
    nchunks = lax.shift_right_logical(hi - lo8 + (CH - 1), 11)

    def _chunk(c, _):
        orig = lo8 + lax.shift_left(c, 11)
        start = jnp.minimum(orig, jnp.int32(NNZ - CH))
        start = pl.multiple_of(start, 8)
        lo_eff = jnp.maximum(lo, orig)
        pltpu.sync_copy(bi_h.at[pl.ds(start, CH)], bbuf)
        pltpu.sync_copy(ai_h.at[pl.ds(start, CH)], abuf)
        pltpu.sync_copy(val_h.at[pl.ds(start, CH)], vbuf)

        def _step(s, _):
            off = lax.shift_left(s, 4)
            b = bbuf[pl.ds(off, 16)]
            a = abuf[pl.ds(off, 16)]
            v = vbuf[pl.ds(off, 16)]
            pos = iota + (start + off)
            m = jnp.logical_and(pos >= lo_eff, pos < hi)
            vm = jnp.where(m, v, 0.0)
            brow = jnp.where(m, b - base_row, 0)
            q = lax.shift_right_logical(a * jnp.int32(43691), 25)
            fa = a - q * jnp.int32(INTER)
            wb = lax.shift_left(fa, 6) + iota
            ab = lax.shift_left(brow, 6) + iota
            gs = [plsc.load_gather(wv, [wb + j]) for j in range(OUT)]
            for j in range(OUT):
                plsc.addupdate_scatter(acc, [ab + j], gs[j] * vm)
            return 0
        lax.fori_loop(0, STEPS, _step, 0)
        return 0
    lax.fori_loop(0, nchunks, _chunk, 0)

    def _fold(i, _):
        r0 = acc[pl.ds(i * 64, 16)]
        r1 = acc[pl.ds(i * 64 + 16, 16)]
        r2 = acc[pl.ds(i * 64 + 32, 16)]
        r3 = acc[pl.ds(i * 64 + 48, 16)]
        obuf[i, pl.ds(0, 16)] = r0 + r2
        obuf[i, pl.ds(16, 16)] = r1 + r3
        return 0
    lax.fori_loop(0, RPW, _fold, 0)
    pltpu.sync_copy(obuf, out_h.at[pl.ds(base_row, RPW), :])


@jax.jit
def kernel(batch_idx, active_idx, values, f, weights):
    del f
    thresholds = jnp.arange(0, N + 1, RPW, dtype=jnp.int32)
    bounds = jnp.searchsorted(batch_idx, thresholds, side="left").astype(jnp.int32)
    bounds = jnp.pad(bounds, (0, 64 - bounds.shape[0]))
    w2 = jnp.concatenate([weights, weights], axis=1).reshape(-1)

    mesh = plsc.VectorSubcoreMesh(
        core_axis_name="c", subcore_axis_name="s",
        num_cores=NC, num_subcores=NS)
    return pl.kernel(
        _body,
        out_type=jax.ShapeDtypeStruct((N, OUT), jnp.float32),
        mesh=mesh,
        compiler_params=pltpu.CompilerParams(
            needs_layout_passes=False, use_tc_tiling_on_sc=False),
        scratch_types=[
            pltpu.SMEM((64,), jnp.int32),
            pltpu.VMEM_SHARED((64,), jnp.int32),
            pltpu.VMEM((INTER * 64,), jnp.float32),
            pltpu.VMEM((RPW * 64,), jnp.float32),
            pltpu.VMEM((CH,), jnp.int32),
            pltpu.VMEM((CH,), jnp.int32),
            pltpu.VMEM((CH,), jnp.float32),
            pltpu.VMEM((RPW, OUT), jnp.float32),
        ],
    )(bounds, batch_idx, active_idx, values, w2)

# --- scband reference (transcript-rebuilt; emitter-appended) ---
"""Pipeline reference for scband-factored-block-37142877175933 (READ-ONLY COPY).

The authoritative reference and input builder live on the scoring server;
editing this copy changes nothing except your own understanding.
"""

import jax, jax.numpy as jnp
import numpy as np

N = 16384          # batch (number of positions)
D = 49152          # halfka.numel()
INTER = 768        # 1 + f.max() with func(i) = i % 768
OUT = 32           # output_dim
NNZ = 524288       # ~32 active features per position


def setup_inputs(seed: int = 0) -> dict:
    key = jax.random.key(seed)
    k1, k2, k3 = jax.random.split(key, 3)
    # sparse COO representation of x: (batch, active) indices + values
    batch_idx = jnp.sort(jax.random.randint(k1, (NNZ,), 0, N))
    active_idx = jax.random.randint(k2, (NNZ,), 0, D)
    values = jnp.ones((NNZ,), dtype=jnp.float32)
    # factorization map f[i] = func(i) = i % 768 (buffer built in __init__)
    f = jnp.arange(D, dtype=jnp.int32) % INTER
    # learned parameter (torch init is zeros; small randn used so outputs are nontrivial)
    weights = jax.random.normal(k3, (INTER, OUT), dtype=jnp.float32) * 0.01
    return {"batch_idx": batch_idx, "active_idx": active_idx, "values": values, "f": f, "weights": weights}


def reference(batch_idx, active_idx, values, f, weights):
    # factored(): gather factor index for each active feature, then
    # scatter-add values into a dense [N, inter_dim] tensor (sparse->dense with
    # duplicate (batch, factored) coordinates summed, matching to_dense()).
    factored = jnp.take(f, active_idx, axis=0)
    x = jnp.zeros((N, INTER), dtype=values.dtype).at[batch_idx, factored].add(values)
    # forward(): dense matmul with factored weights
    return x @ weights

if __name__ == "__main__":
    import jax
    _d = setup_inputs()
    print(jax.jit(kernel)(*tuple(_d.values())))

</pallas_src>

<mosaic_0001>
#map = affine_map<(d0, d1) -> (0)>
#map1 = affine_map<(d0, d1) -> (0, 0)>
module attributes {stable_mosaic.version = 14 : i64} {
  func.func @_body(%arg0: i32, %arg1: i32, %arg2: memref<64xi32, #tpu.memory_space<hbm>>, %arg3: memref<524288xi32, #tpu.memory_space<hbm>>, %arg4: memref<524288xi32, #tpu.memory_space<hbm>>, %arg5: memref<524288xf32, #tpu.memory_space<hbm>>, %arg6: memref<49152xf32, #tpu.memory_space<hbm>>, %arg7: memref<16384x32xf32, #tpu.memory_space<hbm>>, %arg8: memref<64xi32, #tpu.memory_space<smem>>, %arg9: memref<64xi32, #tpu.memory_space<vmem_shared>>, %arg10: memref<49152xf32, #tpu.memory_space<vmem>>, %arg11: memref<32768xf32, #tpu.memory_space<vmem>>, %arg12: memref<2048xi32, #tpu.memory_space<vmem>>, %arg13: memref<2048xi32, #tpu.memory_space<vmem>>, %arg14: memref<2048xf32, #tpu.memory_space<vmem>>, %arg15: memref<512x32xf32, #tpu.memory_space<vmem>>) attributes {dimension_semantics = [#tpu.dimension_semantics<core_parallel>, #tpu.dimension_semantics<subcore_parallel>], iteration_bounds = array<i64: 2, 16>, scalar_prefetch = 0 : i64, scratch_operands = 8 : i64, tpu.core_type = #tpu.core_type<sc_vector_subcore>, window_params = [{transform_indices = #map}, {transform_indices = #map}, {transform_indices = #map}, {transform_indices = #map}, {transform_indices = #map}, {transform_indices = #map1}]} {
    %mul3A = arith.constant 2 : i32
    %mul3A_0 = arith.muli %arg1, %mul3A : i32
    %add3A = arith.addi %mul3A_0, %arg0 : i32
    %mul3A_1 = arith.constant 512 : i32
    %mul3A_2 = arith.muli %add3A, %mul3A_1 : i32
    "tpu.region"() ({
      %run_scoped3A = tpu.sem_alloc : memref<!tpu.dma_semaphore, #tpu.memory_space<semaphore_mem>>
      tpu.enqueue_dma source(%arg2 : memref<64xi32, #tpu.memory_space<hbm>>) target(%arg9 : memref<64xi32, #tpu.memory_space<vmem_shared>>) target_semaphore(%run_scoped3A : memref<!tpu.dma_semaphore, #tpu.memory_space<semaphore_mem>>)
      tpu.wait_dma2 semaphore(%run_scoped3A : memref<!tpu.dma_semaphore, #tpu.memory_space<semaphore_mem>>) src(%arg2 : memref<64xi32, #tpu.memory_space<hbm>>) dst(%arg9 : memref<64xi32, #tpu.memory_space<vmem_shared>>)
      tpu.yield
    }) : () -> ()
    "tpu.region"() ({
      %run_scoped3A = tpu.sem_alloc : memref<!tpu.dma_semaphore, #tpu.memory_space<semaphore_mem>>
      tpu.enqueue_dma source(%arg9 : memref<64xi32, #tpu.memory_space<vmem_shared>>) target(%arg8 : memref<64xi32, #tpu.memory_space<smem>>) target_semaphore(%run_scoped3A : memref<!tpu.dma_semaphore, #tpu.memory_space<semaphore_mem>>)
      tpu.wait_dma2 semaphore(%run_scoped3A : memref<!tpu.dma_semaphore, #tpu.memory_space<semaphore_mem>>) src(%arg9 : memref<64xi32, #tpu.memory_space<vmem_shared>>) dst(%arg8 : memref<64xi32, #tpu.memory_space<smem>>)
      tpu.yield
    }) : () -> ()
    "tpu.region"() ({
      %run_scoped3A = tpu.sem_alloc : memref<!tpu.dma_semaphore, #tpu.memory_space<semaphore_mem>>
      tpu.enqueue_dma source(%arg6 : memref<49152xf32, #tpu.memory_space<hbm>>) target(%arg10 : memref<49152xf32, #tpu.memory_space<vmem>>) target_semaphore(%run_scoped3A : memref<!tpu.dma_semaphore, #tpu.memory_space<semaphore_mem>>)
      tpu.wait_dma2 semaphore(%run_scoped3A : memref<!tpu.dma_semaphore, #tpu.memory_space<semaphore_mem>>) src(%arg6 : memref<49152xf32, #tpu.memory_space<hbm>>) dst(%arg10 : memref<49152xf32, #tpu.memory_space<vmem>>)
      tpu.yield
    }) : () -> ()
    %iota3A = tpu.iota {dimensions = array<i32: 0>} : vector<16xi32>
    %broadcast_in_dim3A = arith.constant 0.000000e+00 : f32
    %broadcast_in_dim3A_3 = vector.broadcast %broadcast_in_dim3A : f32 to vector<16xf32>
    %scan3A = arith.constant 0 : i32
    %scan3A_4 = arith.constant 0 : i32
    %scan3A_5 = arith.constant 2048 : i32
    %scan3A_6 = arith.addi %scan3A_4, %scan3A_5 : i32
    %scan3A_7 = arith.constant 1 : i32
    %scan3A_8 = scf.for %scan3A_37 = %scan3A_4 to %scan3A_6 step %scan3A_7 iter_args(%scan3A_38 = %scan3A) -> (i32)  : i32 {
      %mul3A_39 = arith.constant 16 : i32
      %mul3A_40 = arith.muli %scan3A_37, %mul3A_39 : i32
      %swap3A = arith.index_cast %mul3A_40 : i32 to index
      %swap3A_41 = tpu.vector_load %arg11[%swap3A] {strides = array<i32>} : memref<32768xf32, #tpu.memory_space<vmem>>, vector<16xf32>,
      tpu.vector_store %arg11[%swap3A], %broadcast_in_dim3A_3 {strides = array<i32>} : memref<32768xf32, #tpu.memory_space<vmem>>, vector<16xf32>,
      %scan3A_42 = arith.constant 0 : i32
      scf.yield %scan3A_42 : i32
    }
    %scan3A_9 = arith.constant 2048 : i32
    %get3A = arith.index_cast %add3A : i32 to index
    %get3A_10 = memref.load %arg8[%get3A] : memref<64xi32, #tpu.memory_space<smem>>
    %add3A_11 = arith.constant 1 : i32
    %add3A_12 = arith.addi %add3A, %add3A_11 : i32
    %get3A_13 = arith.index_cast %add3A_12 : i32 to index
    %get3A_14 = memref.load %arg8[%get3A_13] : memref<64xi32, #tpu.memory_space<smem>>
    %and3A = arith.constant -8 : i32
    %and3A_15 = arith.andi %get3A_10, %and3A : i32
    %sub3A = arith.subi %get3A_14, %and3A_15 : i32
    %add3A_16 = arith.constant 2047 : i32
    %add3A_17 = arith.addi %sub3A, %add3A_16 : i32
    %shift_right_logical3A = arith.constant 11 : i32
    %shift_right_logical3A_18 = arith.shrui %add3A_17, %shift_right_logical3A : i32
    %while3A = arith.constant 0 : i32
    %while3A_19 = arith.constant 0 : i32
    %while3A_20 = arith.subi %shift_right_logical3A_18, %while3A : i32
    %while3A_21 = arith.addi %while3A, %while3A_20 : i32
    %while3A_22 = arith.constant 1 : i32
    %while3A_23 = arith.divsi %while3A_20, %while3A_22 : i32
    %while3A_24 = arith.muli %while3A_23, %while3A_22 : i32
    %while3A_25 = arith.addi %while3A, %while3A_24 : i32
    %while3A_26 = arith.constant 1 : i32
    %while3A_27 = scf.for %while3A_37 = %while3A to %while3A_25 step %while3A_26 iter_args(%while3A_38 = %while3A_19) -> (i32)  : i32 {
      %shift_left3A = arith.constant 11 : i32
      %shift_left3A_39 = arith.shli %while3A_37, %shift_left3A : i32
      %add3A_40 = arith.addi %and3A_15, %shift_left3A_39 : i32
      %min3A = arith.constant 522240 : i32
      %min3A_41 = arith.minsi %add3A_40, %min3A : i32
      %multiple_of3A = tpu.assume_multiple %min3A_41, 8 : i32
      %max3A = arith.maxsi %get3A_10, %add3A_40 : i32
      "tpu.region"() ({
        %run_scoped3A = tpu.sem_alloc : memref<!tpu.dma_semaphore, #tpu.memory_space<semaphore_mem>>
        %dma_start3A = tpu.memref_slice %arg3[%multiple_of3A] : memref<524288xi32, #tpu.memory_space<hbm>> -> memref<2048xi32, #tpu.memory_space<hbm>>
        %dma_start3A_50 = tpu.memref_slice %arg3[%multiple_of3A] : memref<524288xi32, #tpu.memory_space<hbm>> -> memref<2048xi32, #tpu.memory_space<hbm>>
        tpu.enqueue_dma source(%dma_start3A_50 : memref<2048xi32, #tpu.memory_space<hbm>>) target(%arg12 : memref<2048xi32, #tpu.memory_space<vmem>>) target_semaphore(%run_scoped3A : memref<!tpu.dma_semaphore, #tpu.memory_space<semaphore_mem>>)
        %dma_wait3A = tpu.memref_slice %arg3[%multiple_of3A] : memref<524288xi32, #tpu.memory_space<hbm>> -> memref<2048xi32, #tpu.memory_space<hbm>>
        %dma_wait3A_51 = tpu.memref_slice %arg3[%multiple_of3A] : memref<524288xi32, #tpu.memory_space<hbm>> -> memref<2048xi32, #tpu.memory_space<hbm>>
        tpu.wait_dma2 semaphore(%run_scoped3A : memref<!tpu.dma_semaphore, #tpu.memory_space<semaphore_mem>>) src(%dma_wait3A_51 : memref<2048xi32, #tpu.memory_space<hbm>>) dst(%arg12 : memref<2048xi32, #tpu.memory_space<vmem>>)
        tpu.yield
      }) : () -> ()
      "tpu.region"() ({
        %run_scoped3A = tpu.sem_alloc : memref<!tpu.dma_semaphore, #tpu.memory_space<semaphore_mem>>
        %dma_start3A = tpu.memref_slice %arg4[%multiple_of3A] : memref<524288xi32, #tpu.memory_space<hbm>> -> memref<2048xi32, #tpu.memory_space<hbm>>
        %dma_start3A_50 = tpu.memref_slice %arg4[%multiple_of3A] : memref<524288xi32, #tpu.memory_space<hbm>> -> memref<2048xi32, #tpu.memory_space<hbm>>
        tpu.enqueue_dma source(%dma_start3A_50 : memref<2048xi32, #tpu.memory_space<hbm>>) target(%arg13 : memref<2048xi32, #tpu.memory_space<vmem>>) target_semaphore(%run_scoped3A : memref<!tpu.dma_semaphore, #tpu.memory_space<semaphore_mem>>)
        %dma_wait3A = tpu.memref_slice %arg4[%multiple_of3A] : memref<524288xi32, #tpu.memory_space<hbm>> -> memref<2048xi32, #tpu.memory_space<hbm>>
        %dma_wait3A_51 = tpu.memref_slice %arg4[%multiple_of3A] : memref<524288xi32, #tpu.memory_space<hbm>> -> memref<2048xi32, #tpu.memory_space<hbm>>
        tpu.wait_dma2 semaphore(%run_scoped3A : memref<!tpu.dma_semaphore, #tpu.memory_space<semaphore_mem>>) src(%dma_wait3A_51 : memref<2048xi32, #tpu.memory_space<hbm>>) dst(%arg13 : memref<2048xi32, #tpu.memory_space<vmem>>)
        tpu.yield
      }) : () -> ()
      "tpu.region"() ({
        %run_scoped3A = tpu.sem_alloc : memref<!tpu.dma_semaphore, #tpu.memory_space<semaphore_mem>>
        %dma_start3A = tpu.memref_slice %arg5[%multiple_of3A] : memref<524288xf32, #tpu.memory_space<hbm>> -> memref<2048xf32, #tpu.memory_space<hbm>>
        %dma_start3A_50 = tpu.memref_slice %arg5[%multiple_of3A] : memref<524288xf32, #tpu.memory_space<hbm>> -> memref<2048xf32, #tpu.memory_space<hbm>>
        tpu.enqueue_dma source(%dma_start3A_50 : memref<2048xf32, #tpu.memory_space<hbm>>) target(%arg14 : memref<2048xf32, #tpu.memory_space<vmem>>) target_semaphore(%run_scoped3A : memref<!tpu.dma_semaphore, #tpu.memory_space<semaphore_mem>>)
        %dma_wait3A = tpu.memref_slice %arg5[%multiple_of3A] : memref<524288xf32, #tpu.memory_space<hbm>> -> memref<2048xf32, #tpu.memory_space<hbm>>
        %dma_wait3A_51 = tpu.memref_slice %arg5[%multiple_of3A] : memref<524288xf32, #tpu.memory_space<hbm>> -> memref<2048xf32, #tpu.memory_space<hbm>>
        tpu.wait_dma2 semaphore(%run_scoped3A : memref<!tpu.dma_semaphore, #tpu.memory_space<semaphore_mem>>) src(%dma_wait3A_51 : memref<2048xf32, #tpu.memory_space<hbm>>) dst(%arg14 : memref<2048xf32, #tpu.memory_space<vmem>>)
        tpu.yield
      }) : () -> ()
      %scan3A_42 = arith.constant 0 : i32
      %scan3A_43 = arith.constant 0 : i32
      %scan3A_44 = arith.constant 128 : i32
      %scan3A_45 = arith.addi %scan3A_43, %scan3A_44 : i32
      %scan3A_46 = arith.constant 1 : i32
      %scan3A_47 = scf.for %scan3A_50 = %scan3A_43 to %scan3A_45 step %scan3A_46 iter_args(%scan3A_51 = %scan3A_42) -> (i32)  : i32 {
        %shift_left3A_52 = arith.constant 4 : i32
        %shift_left3A_53 = arith.shli %scan3A_50, %shift_left3A_52 : i32
        %get3A_54 = arith.index_cast %shift_left3A_53 : i32 to index
        %get3A_55 = tpu.vector_load %arg12[%get3A_54] {strides = array<i32>} : memref<2048xi32, #tpu.memory_space<vmem>>, vector<16xi32>,
        %get3A_56 = arith.index_cast %shift_left3A_53 : i32 to index
        %get3A_57 = tpu.vector_load %arg13[%get3A_56] {strides = array<i32>} : memref<2048xi32, #tpu.memory_space<vmem>>, vector<16xi32>,
        %get3A_58 = arith.index_cast %shift_left3A_53 : i32 to index
        %get3A_59 = tpu.vector_load %arg14[%get3A_58] {strides = array<i32>} : memref<2048xf32, #tpu.memory_space<vmem>>, vector<16xf32>,
        %add3A_60 = arith.addi %multiple_of3A, %shift_left3A_53 : i32
        %add3A_61 = vector.broadcast %add3A_60 : i32 to vector<16xi32>
        %add3A_62 = arith.addi %iota3A, %add3A_61 : vector<16xi32>
        %ge3A = vector.broadcast %max3A : i32 to vector<16xi32>
        %ge3A_63 = arith.cmpi sge, %add3A_62, %ge3A : vector<16xi32>
        %lt3A = vector.broadcast %get3A_14 : i32 to vector<16xi32>
        %lt3A_64 = arith.cmpi slt, %add3A_62, %lt3A : vector<16xi32>
        %and3A_65 = arith.andi %ge3A_63, %lt3A_64 : vector<16xi1>
        %jit3A = arith.constant 0.000000e+00 : f32
        %broadcast_in_dim3A_66 = vector.broadcast %jit3A : f32 to vector<16xf32>
        %select_n3A = arith.select %and3A_65, %get3A_59, %broadcast_in_dim3A_66 : vector<16xi1>, vector<16xf32>
        %sub3A_67 = vector.broadcast %mul3A_2 : i32 to vector<16xi32>
        %sub3A_68 = arith.subi %get3A_55, %sub3A_67 : vector<16xi32>
        %jit3A_69 = arith.constant 0 : i32
        %broadcast_in_dim3A_70 = vector.broadcast %jit3A_69 : i32 to vector<16xi32>
        %select_n3A_71 = arith.select %and3A_65, %sub3A_68, %broadcast_in_dim3A_70 : vector<16xi1>, vector<16xi32>
        %mul3A_72 = arith.constant 43691 : i32
        %mul3A_73 = vector.broadcast %mul3A_72 : i32 to vector<16xi32>
        %mul3A_74 = arith.muli %get3A_57, %mul3A_73 : vector<16xi32>
        %shift_right_logical3A_75 = arith.constant 25 : i32
        %shift_right_logical3A_76 = vector.broadcast %shift_right_logical3A_75 : i32 to vector<16xi32>
        %shift_right_logical3A_77 = arith.shrui %mul3A_74, %shift_right_logical3A_76 : vector<16xi32>
        %mul3A_78 = arith.constant 768 : i32
        %mul3A_79 = vector.broadcast %mul3A_78 : i32 to vector<16xi32>
        %mul3A_80 = arith.muli %shift_right_logical3A_77, %mul3A_79 : vector<16xi32>
        %sub3A_81 = arith.subi %get3A_57, %mul3A_80 : vector<16xi32>
        %shift_left3A_82 = arith.constant 6 : i32
        %shift_left3A_83 = vector.broadcast %shift_left3A_82 : i32 to vector<16xi32>
        %shift_left3A_84 = arith.shli %sub3A_81, %shift_left3A_83 : vector<16xi32>
        %add3A_85 = arith.addi %shift_left3A_84, %iota3A : vector<16xi32>
        %shift_left3A_86 = arith.constant 6 : i32
        %shift_left3A_87 = vector.broadcast %shift_left3A_86 : i32 to vector<16xi32>
        %shift_left3A_88 = arith.shli %select_n3A_71, %shift_left3A_87 : vector<16xi32>
        %add3A_89 = arith.addi %shift_left3A_88, %iota3A : vector<16xi32>
        %add3A_90 = arith.constant 0 : i32
        %add3A_91 = vector.broadcast %add3A_90 : i32 to vector<16xi32>
        %add3A_92 = arith.addi %add3A_85, %add3A_91 : vector<16xi32>
        %gather3A = tpu.vector_load_idx %arg10[%add3A_92] : memref<49152xf32, #tpu.memory_space<vmem>>[vector<16xi32>], vector<16xf32>,
        %add3A_93 = arith.constant 1 : i32
        %add3A_94 = vector.broadcast %add3A_93 : i32 to vector<16xi32>
        %add3A_95 = arith.addi %add3A_85, %add3A_94 : vector<16xi32>
        %gather3A_96 = tpu.vector_load_idx %arg10[%add3A_95] : memref<49152xf32, #tpu.memory_space<vmem>>[vector<16xi32>], vector<16xf32>,
        %add3A_97 = arith.constant 2 : i32
        %add3A_98 = vector.broadcast %add3A_97 : i32 to vector<16xi32>
        %add3A_99 = arith.addi %add3A_85, %add3A_98 : vector<16xi32>
        %gather3A_100 = tpu.vector_load_idx %arg10[%add3A_99] : memref<49152xf32, #tpu.memory_space<vmem>>[vector<16xi32>], vector<16xf32>,
        %add3A_101 = arith.constant 3 : i32
        %add3A_102 = vector.broadcast %add3A_101 : i32 to vector<16xi32>
        %add3A_103 = arith.addi %add3A_85, %add3A_102 : vector<16xi32>
        %gather3A_104 = tpu.vector_load_idx %arg10[%add3A_103] : memref<49152xf32, #tpu.memory_space<vmem>>[vector<16xi32>], vector<16xf32>,
        %add3A_105 = arith.constant 4 : i32
        %add3A_106 = vector.broadcast %add3A_105 : i32 to vector<16xi32>
        %add3A_107 = arith.addi %add3A_85, %add3A_106 : vector<16xi32>
        %gather3A_108 = tpu.vector_load_idx %arg10[%add3A_107] : memref<49152xf32, #tpu.memory_space<vmem>>[vector<16xi32>], vector<16xf32>,
        %add3A_109 = arith.constant 5 : i32
        %add3A_110 = vector.broadcast %add3A_109 : i32 to vector<16xi32>
        %add3A_111 = arith.addi %add3A_85, %add3A_110 : vector<16xi32>
        %gather3A_112 = tpu.vector_load_idx %arg10[%add3A_111] : memref<49152xf32, #tpu.memory_space<vmem>>[vector<16xi32>], vector<16xf32>,
        %add3A_113 = arith.constant 6 : i32
        %add3A_114 = vector.broadcast %add3A_113 : i32 to vector<16xi32>
        %add3A_115 = arith.addi %add3A_85, %add3A_114 : vector<16xi32>
        %gather3A_116 = tpu.vector_load_idx %arg10[%add3A_115] : memref<49152xf32, #tpu.memory_space<vmem>>[vector<16xi32>], vector<16xf32>,
        %add3A_117 = arith.constant 7 : i32
        %add3A_118 = vector.broadcast %add3A_117 : i32 to vector<16xi32>
        %add3A_119 = arith.addi %add3A_85, %add3A_118 : vector<16xi32>
        %gather3A_120 = tpu.vector_load_idx %arg10[%add3A_119] : memref<49152xf32, #tpu.memory_space<vmem>>[vector<16xi32>], vector<16xf32>,
        %add3A_121 = arith.constant 8 : i32
        %add3A_122 = vector.broadcast %add3A_121 : i32 to vector<16xi32>
        %add3A_123 = arith.addi %add3A_85, %add3A_122 : vector<16xi32>
        %gather3A_124 = tpu.vector_load_idx %arg10[%add3A_123] : memref<49152xf32, #tpu.memory_space<vmem>>[vector<16xi32>], vector<16xf32>,
        %add3A_125 = arith.constant 9 : i32
        %add3A_126 = vector.broadcast %add3A_125 : i32 to vector<16xi32>
        %add3A_127 = arith.addi %add3A_85, %add3A_126 : vector<16xi32>
        %gather3A_128 = tpu.vector_load_idx %arg10[%add3A_127] : memref<49152xf32, #tpu.memory_space<vmem>>[vector<16xi32>], vector<16xf32>,
        %add3A_129 = arith.constant 10 : i32
        %add3A_130 = vector.broadcast %add3A_129 : i32 to vector<16xi32>
        %add3A_131 = arith.addi %add3A_85, %add3A_130 : vector<16xi32>
        %gather3A_132 = tpu.vector_load_idx %arg10[%add3A_131] : memref<49152xf32, #tpu.memory_space<vmem>>[vector<16xi32>], vector<16xf32>,
        %add3A_133 = arith.constant 11 : i32
        %add3A_134 = vector.broadcast %add3A_133 : i32 to vector<16xi32>
        %add3A_135 = arith.addi %add3A_85, %add3A_134 : vector<16xi32>
        %gather3A_136 = tpu.vector_load_idx %arg10[%add3A_135] : memref<49152xf32, #tpu.memory_space<vmem>>[vector<16xi32>], vector<16xf32>,
        %add3A_137 = arith.constant 12 : i32
        %add3A_138 = vector.broadcast %add3A_137 : i32 to vector<16xi32>
        %add3A_139 = arith.addi %add3A_85, %add3A_138 : vector<16xi32>
        %gather3A_140 = tpu.vector_load_idx %arg10[%add3A_139] : memref<49152xf32, #tpu.memory_space<vmem>>[vector<16xi32>], vector<16xf32>,
        %add3A_141 = arith.constant 13 : i32
        %add3A_142 = vector.broadcast %add3A_141 : i32 to vector<16xi32>
        %add3A_143 = arith.addi %add3A_85, %add3A_142 : vector<16xi32>
        %gather3A_144 = tpu.vector_load_idx %arg10[%add3A_143] : memref<49152xf32, #tpu.memory_space<vmem>>[vector<16xi32>], vector<16xf32>,
        %add3A_145 = arith.constant 14 : i32
        %add3A_146 = vector.broadcast %add3A_145 : i32 to vector<16xi32>
        %add3A_147 = arith.addi %add3A_85, %add3A_146 : vector<16xi32>
        %gather3A_148 = tpu.vector_load_idx %arg10[%add3A_147] : memref<49152xf32, #tpu.memory_space<vmem>>[vector<16xi32>], vector<16xf32>,
        %add3A_149 = arith.constant 15 : i32
        %add3A_150 = vector.broadcast %add3A_149 : i32 to vector<16xi32>
        %add3A_151 = arith.addi %add3A_85, %add3A_150 : vector<16xi32>
        %gather3A_152 = tpu.vector_load_idx %arg10[%add3A_151] : memref<49152xf32, #tpu.memory_space<vmem>>[vector<16xi32>], vector<16xf32>,
        %add3A_153 = arith.constant 16 : i32
        %add3A_154 = vector.broadcast %add3A_153 : i32 to vector<16xi32>
        %add3A_155 = arith.addi %add3A_85, %add3A_154 : vector<16xi32>
        %gather3A_156 = tpu.vector_load_idx %arg10[%add3A_155] : memref<49152xf32, #tpu.memory_space<vmem>>[vector<16xi32>], vector<16xf32>,
        %add3A_157 = arith.constant 17 : i32
        %add3A_158 = vector.broadcast %add3A_157 : i32 to vector<16xi32>
        %add3A_159 = arith.addi %add3A_85, %add3A_158 : vector<16xi32>
        %gather3A_160 = tpu.vector_load_idx %arg10[%add3A_159] : memref<49152xf32, #tpu.memory_space<vmem>>[vector<16xi32>], vector<16xf32>,
        %add3A_161 = arith.constant 18 : i32
        %add3A_162 = vector.broadcast %add3A_161 : i32 to vector<16xi32>
        %add3A_163 = arith.addi %add3A_85, %add3A_162 : vector<16xi32>
        %gather3A_164 = tpu.vector_load_idx %arg10[%add3A_163] : memref<49152xf32, #tpu.memory_space<vmem>>[vector<16xi32>], vector<16xf32>,
        %add3A_165 = arith.constant 19 : i32
        %add3A_166 = vector.broadcast %add3A_165 : i32 to vector<16xi32>
        %add3A_167 = arith.addi %add3A_85, %add3A_166 : vector<16xi32>
        %gather3A_168 = tpu.vector_load_idx %arg10[%add3A_167] : memref<49152xf32, #tpu.memory_space<vmem>>[vector<16xi32>], vector<16xf32>,
        %add3A_169 = arith.constant 20 : i32
        %add3A_170 = vector.broadcast %add3A_169 : i32 to vector<16xi32>
        %add3A_171 = arith.addi %add3A_85, %add3A_170 : vector<16xi32>
        %gather3A_172 = tpu.vector_load_idx %arg10[%add3A_171] : memref<49152xf32, #tpu.memory_space<vmem>>[vector<16xi32>], vector<16xf32>,
        %add3A_173 = arith.constant 21 : i32
        %add3A_174 = vector.broadcast %add3A_173 : i32 to vector<16xi32>
        %add3A_175 = arith.addi %add3A_85, %add3A_174 : vector<16xi32>
        %gather3A_176 = tpu.vector_load_idx %arg10[%add3A_175] : memref<49152xf32, #tpu.memory_space<vmem>>[vector<16xi32>], vector<16xf32>,
        %add3A_177 = arith.constant 22 : i32
        %add3A_178 = vector.broadcast %add3A_177 : i32 to vector<16xi32>
        %add3A_179 = arith.addi %add3A_85, %add3A_178 : vector<16xi32>
        %gather3A_180 = tpu.vector_load_idx %arg10[%add3A_179] : memref<49152xf32, #tpu.memory_space<vmem>>[vector<16xi32>], vector<16xf32>,
        %add3A_181 = arith.constant 23 : i32
        %add3A_182 = vector.broadcast %add3A_181 : i32 to vector<16xi32>
        %add3A_183 = arith.addi %add3A_85, %add3A_182 : vector<16xi32>
        %gather3A_184 = tpu.vector_load_idx %arg10[%add3A_183] : memref<49152xf32, #tpu.memory_space<vmem>>[vector<16xi32>], vector<16xf32>,
        %add3A_185 = arith.constant 24 : i32
        %add3A_186 = vector.broadcast %add3A_185 : i32 to vector<16xi32>
        %add3A_187 = arith.addi %add3A_85, %add3A_186 : vector<16xi32>
        %gather3A_188 = tpu.vector_load_idx %arg10[%add3A_187] : memref<49152xf32, #tpu.memory_space<vmem>>[vector<16xi32>], vector<16xf32>,
        %add3A_189 = arith.constant 25 : i32
        %add3A_190 = vector.broadcast %add3A_189 : i32 to vector<16xi32>
        %add3A_191 = arith.addi %add3A_85, %add3A_190 : vector<16xi32>
        %gather3A_192 = tpu.vector_load_idx %arg10[%add3A_191] : memref<49152xf32, #tpu.memory_space<vmem>>[vector<16xi32>], vector<16xf32>,
        %add3A_193 = arith.constant 26 : i32
        %add3A_194 = vector.broadcast %add3A_193 : i32 to vector<16xi32>
        %add3A_195 = arith.addi %add3A_85, %add3A_194 : vector<16xi32>
        %gather3A_196 = tpu.vector_load_idx %arg10[%add3A_195] : memref<49152xf32, #tpu.memory_space<vmem>>[vector<16xi32>], vector<16xf32>,
        %add3A_197 = arith.constant 27 : i32
        %add3A_198 = vector.broadcast %add3A_197 : i32 to vector<16xi32>
        %add3A_199 = arith.addi %add3A_85, %add3A_198 : vector<16xi32>
        %gather3A_200 = tpu.vector_load_idx %arg10[%add3A_199] : memref<49152xf32, #tpu.memory_space<vmem>>[vector<16xi32>], vector<16xf32>,
        %add3A_201 = arith.constant 28 : i32
        %add3A_202 = vector.broadcast %add3A_201 : i32 to vector<16xi32>
        %add3A_203 = arith.addi %add3A_85, %add3A_202 : vector<16xi32>
        %gather3A_204 = tpu.vector_load_idx %arg10[%add3A_203] : memref<49152xf32, #tpu.memory_space<vmem>>[vector<16xi32>], vector<16xf32>,
        %add3A_205 = arith.constant 29 : i32
        %add3A_206 = vector.broadcast %add3A_205 : i32 to vector<16xi32>
        %add3A_207 = arith.addi %add3A_85, %add3A_206 : vector<16xi32>
        %gather3A_208 = tpu.vector_load_idx %arg10[%add3A_207] : memref<49152xf32, #tpu.memory_space<vmem>>[vector<16xi32>], vector<16xf32>,
        %add3A_209 = arith.constant 30 : i32
        %add3A_210 = vector.broadcast %add3A_209 : i32 to vector<16xi32>
        %add3A_211 = arith.addi %add3A_85, %add3A_210 : vector<16xi32>
        %gather3A_212 = tpu.vector_load_idx %arg10[%add3A_211] : memref<49152xf32, #tpu.memory_space<vmem>>[vector<16xi32>], vector<16xf32>,
        %add3A_213 = arith.constant 31 : i32
        %add3A_214 = vector.broadcast %add3A_213 : i32 to vector<16xi32>
        %add3A_215 = arith.addi %add3A_85, %add3A_214 : vector<16xi32>
        %gather3A_216 = tpu.vector_load_idx %arg10[%add3A_215] : memref<49152xf32, #tpu.memory_space<vmem>>[vector<16xi32>], vector<16xf32>,
        %add3A_217 = arith.constant 0 : i32
        %add3A_218 = vector.broadcast %add3A_217 : i32 to vector<16xi32>
        %add3A_219 = arith.addi %add3A_89, %add3A_218 : vector<16xi32>
        %mul3A_220 = arith.mulf %gather3A, %select_n3A : vector<16xf32>
        tpu.vector_store_idx %arg11[%add3A_219], %mul3A_220 {add = true} : memref<32768xf32, #tpu.memory_space<vmem>>[vector<16xi32>], vector<16xf32>,
        %add3A_221 = arith.constant 1 : i32
        %add3A_222 = vector.broadcast %add3A_221 : i32 to vector<16xi32>
        %add3A_223 = arith.addi %add3A_89, %add3A_222 : vector<16xi32>
        %mul3A_224 = arith.mulf %gather3A_96, %select_n3A : vector<16xf32>
        tpu.vector_store_idx %arg11[%add3A_223], %mul3A_224 {add = true} : memref<32768xf32, #tpu.memory_space<vmem>>[vector<16xi32>], vector<16xf32>,
        %add3A_225 = arith.constant 2 : i32
        %add3A_226 = vector.broadcast %add3A_225 : i32 to vector<16xi32>
        %add3A_227 = arith.addi %add3A_89, %add3A_226 : vector<16xi32>
        %mul3A_228 = arith.mulf %gather3A_100, %select_n3A : vector<16xf32>
        tpu.vector_store_idx %arg11[%add3A_227], %mul3A_228 {add = true} : memref<32768xf32, #tpu.memory_space<vmem>>[vector<16xi32>], vector<16xf32>,
        %add3A_229 = arith.constant 3 : i32
        %add3A_230 = vector.broadcast %add3A_229 : i32 to vector<16xi32>
        %add3A_231 = arith.addi %add3A_89, %add3A_230 : vector<16xi32>
        %mul3A_232 = arith.mulf %gather3A_104, %select_n3A : vector<16xf32>
        tpu.vector_store_idx %arg11[%add3A_231], %mul3A_232 {add = true} : memref<32768xf32, #tpu.memory_space<vmem>>[vector<16xi32>], vector<16xf32>,
        %add3A_233 = arith.constant 4 : i32
        %add3A_234 = vector.broadcast %add3A_233 : i32 to vector<16xi32>
        %add3A_235 = arith.addi %add3A_89, %add3A_234 : vector<16xi32>
        %mul3A_236 = arith.mulf %gather3A_108, %select_n3A : vector<16xf32>
        tpu.vector_store_idx %arg11[%add3A_235], %mul3A_236 {add = true} : memref<32768xf32, #tpu.memory_space<vmem>>[vector<16xi32>], vector<16xf32>,
        %add3A_237 = arith.constant 5 : i32
        %add3A_238 = vector.broadcast %add3A_237 : i32 to vector<16xi32>
        %add3A_239 = arith.addi %add3A_89, %add3A_238 : vector<16xi32>
        %mul3A_240 = arith.mulf %gather3A_112, %select_n3A : vector<16xf32>
        tpu.vector_store_idx %arg11[%add3A_239], %mul3A_240 {add = true} : memref<32768xf32, #tpu.memory_space<vmem>>[vector<16xi32>], vector<16xf32>,
        %add3A_241 = arith.constant 6 : i32
        %add3A_242 = vector.broadcast %add3A_241 : i32 to vector<16xi32>
        %add3A_243 = arith.addi %add3A_89, %add3A_242 : vector<16xi32>
        %mul3A_244 = arith.mulf %gather3A_116, %select_n3A : vector<16xf32>
        tpu.vector_store_idx %arg11[%add3A_243], %mul3A_244 {add = true} : memref<32768xf32, #tpu.memory_space<vmem>>[vector<16xi32>], vector<16xf32>,
        %add3A_245 = arith.constant 7 : i32
        %add3A_246 = vector.broadcast %add3A_245 : i32 to vector<16xi32>
        %add3A_247 = arith.addi %add3A_89, %add3A_246 : vector<16xi32>
        %mul3A_248 = arith.mulf %gather3A_120, %select_n3A : vector<16xf32>
        tpu.vector_store_idx %arg11[%add3A_247], %mul3A_248 {add = true} : memref<32768xf32, #tpu.memory_space<vmem>>[vector<16xi32>], vector<16xf32>,
        %add3A_249 = arith.constant 8 : i32
        %add3A_250 = vector.broadcast %add3A_249 : i32 to vector<16xi32>
        %add3A_251 = arith.addi %add3A_89, %add3A_250 : vector<16xi32>
        %mul3A_252 = arith.mulf %gather3A_124, %select_n3A : vector<16xf32>
        tpu.vector_store_idx %arg11[%add3A_251], %mul3A_252 {add = true} : memref<32768xf32, #tpu.memory_space<vmem>>[vector<16xi32>], vector<16xf32>,
        %add3A_253 = arith.constant 9 : i32
        %add3A_254 = vector.broadcast %add3A_253 : i32 to vector<16xi32>
        %add3A_255 = arith.addi %add3A_89, %add3A_254 : vector<16xi32>
        %mul3A_256 = arith.mulf %gather3A_128, %select_n3A : vector<16xf32>
        tpu.vector_store_idx %arg11[%add3A_255], %mul3A_256 {add = true} : memref<32768xf32, #tpu.memory_space<vmem>>[vector<16xi32>], vector<16xf32>,
        %add3A_257 = arith.constant 10 : i32
        %add3A_258 = vector.broadcast %add3A_257 : i32 to vector<16xi32>
        %add3A_259 = arith.addi %add3A_89, %add3A_258 : vector<16xi32>
        %mul3A_260 = arith.mulf %gather3A_132, %select_n3A : vector<16xf32>
        tpu.vector_store_idx %arg11[%add3A_259], %mul3A_260 {add = true} : memref<32768xf32, #tpu.memory_space<vmem>>[vector<16xi32>], vector<16xf32>,
        %add3A_261 = arith.constant 11 : i32
        %add3A_262 = vector.broadcast %add3A_261 : i32 to vector<16xi32>
        %add3A_263 = arith.addi %add3A_89, %add3A_262 : vector<16xi32>
        %mul3A_264 = arith.mulf %gather3A_136, %select_n3A : vector<16xf32>
        tpu.vector_store_idx %arg11[%add3A_263], %mul3A_264 {add = true} : memref<32768xf32, #tpu.memory_space<vmem>>[vector<16xi32>], vector<16xf32>,
        %add3A_265 = arith.constant 12 : i32
        %add3A_266 = vector.broadcast %add3A_265 : i32 to vector<16xi32>
        %add3A_267 = arith.addi %add3A_89, %add3A_266 : vector<16xi32>
        %mul3A_268 = arith.mulf %gather3A_140, %select_n3A : vector<16xf32>
        tpu.vector_store_idx %arg11[%add3A_267], %mul3A_268 {add = true} : memref<32768xf32, #tpu.memory_space<vmem>>[vector<16xi32>], vector<16xf32>,
        %add3A_269 = arith.constant 13 : i32
        %add3A_270 = vector.broadcast %add3A_269 : i32 to vector<16xi32>
        %add3A_271 = arith.addi %add3A_89, %add3A_270 : vector<16xi32>
        %mul3A_272 = arith.mulf %gather3A_144, %select_n3A : vector<16xf32>
        tpu.vector_store_idx %arg11[%add3A_271], %mul3A_272 {add = true} : memref<32768xf32, #tpu.memory_space<vmem>>[vector<16xi32>], vector<16xf32>,
        %add3A_273 = arith.constant 14 : i32
        %add3A_274 = vector.broadcast %add3A_273 : i32 to vector<16xi32>
        %add3A_275 = arith.addi %add3A_89, %add3A_274 : vector<16xi32>
        %mul3A_276 = arith.mulf %gather3A_148, %select_n3A : vector<16xf32>
        tpu.vector_store_idx %arg11[%add3A_275], %mul3A_276 {add = true} : memref<32768xf32, #tpu.memory_space<vmem>>[vector<16xi32>], vector<16xf32>,
        %add3A_277 = arith.constant 15 : i32
        %add3A_278 = vector.broadcast %add3A_277 : i32 to vector<16xi32>
        %add3A_279 = arith.addi %add3A_89, %add3A_278 : vector<16xi32>
        %mul3A_280 = arith.mulf %gather3A_152, %select_n3A : vector<16xf32>
        tpu.vector_store_idx %arg11[%add3A_279], %mul3A_280 {add = true} : memref<32768xf32, #tpu.memory_space<vmem>>[vector<16xi32>], vector<16xf32>,
        %add3A_281 = arith.constant 16 : i32
        %add3A_282 = vector.broadcast %add3A_281 : i32 to vector<16xi32>
        %add3A_283 = arith.addi %add3A_89, %add3A_282 : vector<16xi32>
        %mul3A_284 = arith.mulf %gather3A_156, %select_n3A : vector<16xf32>
        tpu.vector_store_idx %arg11[%add3A_283], %mul3A_284 {add = true} : memref<32768xf32, #tpu.memory_space<vmem>>[vector<16xi32>], vector<16xf32>,
        %add3A_285 = arith.constant 17 : i32
        %add3A_286 = vector.broadcast %add3A_285 : i32 to vector<16xi32>
        %add3A_287 = arith.addi %add3A_89, %add3A_286 : vector<16xi32>
        %mul3A_288 = arith.mulf %gather3A_160, %select_n3A : vector<16xf32>
        tpu.vector_store_idx %arg11[%add3A_287], %mul3A_288 {add = true} : memref<32768xf32, #tpu.memory_space<vmem>>[vector<16xi32>], vector<16xf32>,
        %add3A_289 = arith.constant 18 : i32
        %add3A_290 = vector.broadcast %add3A_289 : i32 to vector<16xi32>
        %add3A_291 = arith.addi %add3A_89, %add3A_290 : vector<16xi32>
        %mul3A_292 = arith.mulf %gather3A_164, %select_n3A : vector<16xf32>
        tpu.vector_store_idx %arg11[%add3A_291], %mul3A_292 {add = true} : memref<32768xf32, #tpu.memory_space<vmem>>[vector<16xi32>], vector<16xf32>,
        %add3A_293 = arith.constant 19 : i32
        %add3A_294 = vector.broadcast %add3A_293 : i32 to vector<16xi32>
        %add3A_295 = arith.addi %add3A_89, %add3A_294 : vector<16xi32>
        %mul3A_296 = arith.mulf %gather3A_168, %select_n3A : vector<16xf32>
        tpu.vector_store_idx %arg11[%add3A_295], %mul3A_296 {add = true} : memref<32768xf32, #tpu.memory_space<vmem>>[vector<16xi32>], vector<16xf32>,
        %add3A_297 = arith.constant 20 : i32
        %add3A_298 = vector.broadcast %add3A_297 : i32 to vector<16xi32>
        %add3A_299 = arith.addi %add3A_89, %add3A_298 : vector<16xi32>
        %mul3A_300 = arith.mulf %gather3A_172, %select_n3A : vector<16xf32>
        tpu.vector_store_idx %arg11[%add3A_299], %mul3A_300 {add = true} : memref<32768xf32, #tpu.memory_space<vmem>>[vector<16xi32>], vector<16xf32>,
        %add3A_301 = arith.constant 21 : i32
        %add3A_302 = vector.broadcast %add3A_301 : i32 to vector<16xi32>
        %add3A_303 = arith.addi %add3A_89, %add3A_302 : vector<16xi32>
        %mul3A_304 = arith.mulf %gather3A_176, %select_n3A : vector<16xf32>
        tpu.vector_store_idx %arg11[%add3A_303], %mul3A_304 {add = true} : memref<32768xf32, #tpu.memory_space<vmem>>[vector<16xi32>], vector<16xf32>,
        %add3A_305 = arith.constant 22 : i32
        %add3A_306 = vector.broadcast %add3A_305 : i32 to vector<16xi32>
        %add3A_307 = arith.addi %add3A_89, %add3A_306 : vector<16xi32>
        %mul3A_308 = arith.mulf %gather3A_180, %select_n3A : vector<16xf32>
        tpu.vector_store_idx %arg11[%add3A_307], %mul3A_308 {add = true} : memref<32768xf32, #tpu.memory_space<vmem>>[vector<16xi32>], vector<16xf32>,
        %add3A_309 = arith.constant 23 : i32
        %add3A_310 = vector.broadcast %add3A_309 : i32 to vector<16xi32>
        %add3A_311 = arith.addi %add3A_89, %add3A_310 : vector<16xi32>
        %mul3A_312 = arith.mulf %gather3A_184, %select_n3A : vector<16xf32>
        tpu.vector_store_idx %arg11[%add3A_311], %mul3A_312 {add = true} : memref<32768xf32, #tpu.memory_space<vmem>>[vector<16xi32>], vector<16xf32>,
        %add3A_313 = arith.constant 24 : i32
        %add3A_314 = vector.broadcast %add3A_313 : i32 to vector<16xi32>
        %add3A_315 = arith.addi %add3A_89, %add3A_314 : vector<16xi32>
        %mul3A_316 = arith.mulf %gather3A_188, %select_n3A : vector<16xf32>
        tpu.vector_store_idx %arg11[%add3A_315], %mul3A_316 {add = true} : memref<32768xf32, #tpu.memory_space<vmem>>[vector<16xi32>], vector<16xf32>,
        %add3A_317 = arith.constant 25 : i32
        %add3A_318 = vector.broadcast %add3A_317 : i32 to vector<16xi32>
        %add3A_319 = arith.addi %add3A_89, %add3A_318 : vector<16xi32>
        %mul3A_320 = arith.mulf %gather3A_192, %select_n3A : vector<16xf32>
        tpu.vector_store_idx %arg11[%add3A_319], %mul3A_320 {add = true} : memref<32768xf32, #tpu.memory_space<vmem>>[vector<16xi32>], vector<16xf32>,
        %add3A_321 = arith.constant 26 : i32
        %add3A_322 = vector.broadcast %add3A_321 : i32 to vector<16xi32>
        %add3A_323 = arith.addi %add3A_89, %add3A_322 : vector<16xi32>
        %mul3A_324 = arith.mulf %gather3A_196, %select_n3A : vector<16xf32>
        tpu.vector_store_idx %arg11[%add3A_323], %mul3A_324 {add = true} : memref<32768xf32, #tpu.memory_space<vmem>>[vector<16xi32>], vector<16xf32>,
        %add3A_325 = arith.constant 27 : i32
        %add3A_326 = vector.broadcast %add3A_325 : i32 to vector<16xi32>
        %add3A_327 = arith.addi %add3A_89, %add3A_326 : vector<16xi32>
        %mul3A_328 = arith.mulf %gather3A_200, %select_n3A : vector<16xf32>
        tpu.vector_store_idx %arg11[%add3A_327], %mul3A_328 {add = true} : memref<32768xf32, #tpu.memory_space<vmem>>[vector<16xi32>], vector<16xf32>,
        %add3A_329 = arith.constant 28 : i32
        %add3A_330 = vector.broadcast %add3A_329 : i32 to vector<16xi32>
        %add3A_331 = arith.addi %add3A_89, %add3A_330 : vector<16xi32>
        %mul3A_332 = arith.mulf %gather3A_204, %select_n3A : vector<16xf32>
        tpu.vector_store_idx %arg11[%add3A_331], %mul3A_332 {add = true} : memref<32768xf32, #tpu.memory_space<vmem>>[vector<16xi32>], vector<16xf32>,
        %add3A_333 = arith.constant 29 : i32
        %add3A_334 = vector.broadcast %add3A_333 : i32 to vector<16xi32>
        %add3A_335 = arith.addi %add3A_89, %add3A_334 : vector<16xi32>
        %mul3A_336 = arith.mulf %gather3A_208, %select_n3A : vector<16xf32>
        tpu.vector_store_idx %arg11[%add3A_335], %mul3A_336 {add = true} : memref<32768xf32, #tpu.memory_space<vmem>>[vector<16xi32>], vector<16xf32>,
        %add3A_337 = arith.constant 30 : i32
        %add3A_338 = vector.broadcast %add3A_337 : i32 to vector<16xi32>
        %add3A_339 = arith.addi %add3A_89, %add3A_338 : vector<16xi32>
        %mul3A_340 = arith.mulf %gather3A_212, %select_n3A : vector<16xf32>
        tpu.vector_store_idx %arg11[%add3A_339], %mul3A_340 {add = true} : memref<32768xf32, #tpu.memory_space<vmem>>[vector<16xi32>], vector<16xf32>,
        %add3A_341 = arith.constant 31 : i32
        %add3A_342 = vector.broadcast %add3A_341 : i32 to vector<16xi32>
        %add3A_343 = arith.addi %add3A_89, %add3A_342 : vector<16xi32>
        %mul3A_344 = arith.mulf %gather3A_216, %select_n3A : vector<16xf32>
        tpu.vector_store_idx %arg11[%add3A_343], %mul3A_344 {add = true} : memref<32768xf32, #tpu.memory_space<vmem>>[vector<16xi32>], vector<16xf32>,
        %scan3A_345 = arith.constant 0 : i32
        scf.yield %scan3A_345 : i32
      }
      %scan3A_48 = arith.constant 128 : i32
      %while3A_49 = arith.constant 0 : i32
      scf.yield %while3A_49 : i32
    }
    %while3A_28 = arith.constant 1 : i32
    %while3A_29 = scf.for %while3A_37 = %while3A_25 to %while3A_21 step %while3A_28 iter_args(%while3A_38 = %while3A_27) -> (i32)  : i32 {
      %shift_left3A = arith.constant 11 : i32
      %shift_left3A_39 = arith.shli %while3A_37, %shift_left3A : i32
      %add3A_40 = arith.addi %and3A_15, %shift_left3A_39 : i32
      %min3A = arith.constant 522240 : i32
      %min3A_41 = arith.minsi %add3A_40, %min3A : i32
      %multiple_of3A = tpu.assume_multiple %min3A_41, 8 : i32
      %max3A = arith.maxsi %get3A_10, %add3A_40 : i32
      "tpu.region"() ({
        %run_scoped3A = tpu.sem_alloc : memref<!tpu.dma_semaphore, #tpu.memory_space<semaphore_mem>>
        %dma_start3A = tpu.memref_slice %arg3[%multiple_of3A] : memref<524288xi32, #tpu.memory_space<hbm>> -> memref<2048xi32, #tpu.memory_space<hbm>>
        %dma_start3A_50 = tpu.memref_slice %arg3[%multiple_of3A] : memref<524288xi32, #tpu.memory_space<hbm>> -> memref<2048xi32, #tpu.memory_space<hbm>>
        tpu.enqueue_dma source(%dma_start3A_50 : memref<2048xi32, #tpu.memory_space<hbm>>) target(%arg12 : memref<2048xi32, #tpu.memory_space<vmem>>) target_semaphore(%run_scoped3A : memref<!tpu.dma_semaphore, #tpu.memory_space<semaphore_mem>>)
        %dma_wait3A = tpu.memref_slice %arg3[%multiple_of3A] : memref<524288xi32, #tpu.memory_space<hbm>> -> memref<2048xi32, #tpu.memory_space<hbm>>
        %dma_wait3A_51 = tpu.memref_slice %arg3[%multiple_of3A] : memref<524288xi32, #tpu.memory_space<hbm>> -> memref<2048xi32, #tpu.memory_space<hbm>>
        tpu.wait_dma2 semaphore(%run_scoped3A : memref<!tpu.dma_semaphore, #tpu.memory_space<semaphore_mem>>) src(%dma_wait3A_51 : memref<2048xi32, #tpu.memory_space<hbm>>) dst(%arg12 : memref<2048xi32, #tpu.memory_space<vmem>>)
        tpu.yield
      }) : () -> ()
      "tpu.region"() ({
        %run_scoped3A = tpu.sem_alloc : memref<!tpu.dma_semaphore, #tpu.memory_space<semaphore_mem>>
        %dma_start3A = tpu.memref_slice %arg4[%multiple_of3A] : memref<524288xi32, #tpu.memory_space<hbm>> -> memref<2048xi32, #tpu.memory_space<hbm>>
        %dma_start3A_50 = tpu.memref_slice %arg4[%multiple_of3A] : memref<524288xi32, #tpu.memory_space<hbm>> -> memref<2048xi32, #tpu.memory_space<hbm>>
        tpu.enqueue_dma source(%dma_start3A_50 : memref<2048xi32, #tpu.memory_space<hbm>>) target(%arg13 : memref<2048xi32, #tpu.memory_space<vmem>>) target_semaphore(%run_scoped3A : memref<!tpu.dma_semaphore, #tpu.memory_space<semaphore_mem>>)
        %dma_wait3A = tpu.memref_slice %arg4[%multiple_of3A] : memref<524288xi32, #tpu.memory_space<hbm>> -> memref<2048xi32, #tpu.memory_space<hbm>>
        %dma_wait3A_51 = tpu.memref_slice %arg4[%multiple_of3A] : memref<524288xi32, #tpu.memory_space<hbm>> -> memref<2048xi32, #tpu.memory_space<hbm>>
        tpu.wait_dma2 semaphore(%run_scoped3A : memref<!tpu.dma_semaphore, #tpu.memory_space<semaphore_mem>>) src(%dma_wait3A_51 : memref<2048xi32, #tpu.memory_space<hbm>>) dst(%arg13 : memref<2048xi32, #tpu.memory_space<vmem>>)
        tpu.yield
      }) : () -> ()
      "tpu.region"() ({
        %run_scoped3A = tpu.sem_alloc : memref<!tpu.dma_semaphore, #tpu.memory_space<semaphore_mem>>
        %dma_start3A = tpu.memref_slice %arg5[%multiple_of3A] : memref<524288xf32, #tpu.memory_space<hbm>> -> memref<2048xf32, #tpu.memory_space<hbm>>
        %dma_start3A_50 = tpu.memref_slice %arg5[%multiple_of3A] : memref<524288xf32, #tpu.memory_space<hbm>> -> memref<2048xf32, #tpu.memory_space<hbm>>
        tpu.enqueue_dma source(%dma_start3A_50 : memref<2048xf32, #tpu.memory_space<hbm>>) target(%arg14 : memref<2048xf32, #tpu.memory_space<vmem>>) target_semaphore(%run_scoped3A : memref<!tpu.dma_semaphore, #tpu.memory_space<semaphore_mem>>)
        %dma_wait3A = tpu.memref_slice %arg5[%multiple_of3A] : memref<524288xf32, #tpu.memory_space<hbm>> -> memref<2048xf32, #tpu.memory_space<hbm>>
        %dma_wait3A_51 = tpu.memref_slice %arg5[%multiple_of3A] : memref<524288xf32, #tpu.memory_space<hbm>> -> memref<2048xf32, #tpu.memory_space<hbm>>
        tpu.wait_dma2 semaphore(%run_scoped3A : memref<!tpu.dma_semaphore, #tpu.memory_space<semaphore_mem>>) src(%dma_wait3A_51 : memref<2048xf32, #tpu.memory_space<hbm>>) dst(%arg14 : memref<2048xf32, #tpu.memory_space<vmem>>)
        tpu.yield
      }) : () -> ()
      %scan3A_42 = arith.constant 0 : i32
      %scan3A_43 = arith.constant 0 : i32
      %scan3A_44 = arith.constant 128 : i32
      %scan3A_45 = arith.addi %scan3A_43, %scan3A_44 : i32
      %scan3A_46 = arith.constant 1 : i32
      %scan3A_47 = scf.for %scan3A_50 = %scan3A_43 to %scan3A_45 step %scan3A_46 iter_args(%scan3A_51 = %scan3A_42) -> (i32)  : i32 {
        %shift_left3A_52 = arith.constant 4 : i32
        %shift_left3A_53 = arith.shli %scan3A_50, %shift_left3A_52 : i32
        %get3A_54 = arith.index_cast %shift_left3A_53 : i32 to index
        %get3A_55 = tpu.vector_load %arg12[%get3A_54] {strides = array<i32>} : memref<2048xi32, #tpu.memory_space<vmem>>, vector<16xi32>,
        %get3A_56 = arith.index_cast %shift_left3A_53 : i32 to index
        %get3A_57 = tpu.vector_load %arg13[%get3A_56] {strides = array<i32>} : memref<2048xi32, #tpu.memory_space<vmem>>, vector<16xi32>,
        %get3A_58 = arith.index_cast %shift_left3A_53 : i32 to index
        %get3A_59 = tpu.vector_load %arg14[%get3A_58] {strides = array<i32>} : memref<2048xf32, #tpu.memory_space<vmem>>, vector<16xf32>,
        %add3A_60 = arith.addi %multiple_of3A, %shift_left3A_53 : i32
        %add3A_61 = vector.broadcast %add3A_60 : i32 to vector<16xi32>
        %add3A_62 = arith.addi %iota3A, %add3A_61 : vector<16xi32>
        %ge3A = vector.broadcast %max3A : i32 to vector<16xi32>
        %ge3A_63 = arith.cmpi sge, %add3A_62, %ge3A : vector<16xi32>
        %lt3A = vector.broadcast %get3A_14 : i32 to vector<16xi32>
        %lt3A_64 = arith.cmpi slt, %add3A_62, %lt3A : vector<16xi32>
        %and3A_65 = arith.andi %ge3A_63, %lt3A_64 : vector<16xi1>
        %jit3A = arith.constant 0.000000e+00 : f32
        %broadcast_in_dim3A_66 = vector.broadcast %jit3A : f32 to vector<16xf32>
        %select_n3A = arith.select %and3A_65, %get3A_59, %broadcast_in_dim3A_66 : vector<16xi1>, vector<16xf32>
        %sub3A_67 = vector.broadcast %mul3A_2 : i32 to vector<16xi32>
        %sub3A_68 = arith.subi %get3A_55, %sub3A_67 : vector<16xi32>
        %jit3A_69 = arith.constant 0 : i32
        %broadcast_in_dim3A_70 = vector.broadcast %jit3A_69 : i32 to vector<16xi32>
        %select_n3A_71 = arith.select %and3A_65, %sub3A_68, %broadcast_in_dim3A_70 : vector<16xi1>, vector<16xi32>
        %mul3A_72 = arith.constant 43691 : i32
        %mul3A_73 = vector.broadcast %mul3A_72 : i32 to vector<16xi32>
        %mul3A_74 = arith.muli %get3A_57, %mul3A_73 : vector<16xi32>
        %shift_right_logical3A_75 = arith.constant 25 : i32
        %shift_right_logical3A_76 = vector.broadcast %shift_right_logical3A_75 : i32 to vector<16xi32>
        %shift_right_logical3A_77 = arith.shrui %mul3A_74, %shift_right_logical3A_76 : vector<16xi32>
        %mul3A_78 = arith.constant 768 : i32
        %mul3A_79 = vector.broadcast %mul3A_78 : i32 to vector<16xi32>
        %mul3A_80 = arith.muli %shift_right_logical3A_77, %mul3A_79 : vector<16xi32>
        %sub3A_81 = arith.subi %get3A_57, %mul3A_80 : vector<16xi32>
        %shift_left3A_82 = arith.constant 6 : i32
        %shift_left3A_83 = vector.broadcast %shift_left3A_82 : i32 to vector<16xi32>
        %shift_left3A_84 = arith.shli %sub3A_81, %shift_left3A_83 : vector<16xi32>
        %add3A_85 = arith.addi %shift_left3A_84, %iota3A : vector<16xi32>
        %shift_left3A_86 = arith.constant 6 : i32
        %shift_left3A_87 = vector.broadcast %shift_left3A_86 : i32 to vector<16xi32>
        %shift_left3A_88 = arith.shli %select_n3A_71, %shift_left3A_87 : vector<16xi32>
        %add3A_89 = arith.addi %shift_left3A_88, %iota3A : vector<16xi32>
        %add3A_90 = arith.constant 0 : i32
        %add3A_91 = vector.broadcast %add3A_90 : i32 to vector<16xi32>
        %add3A_92 = arith.addi %add3A_85, %add3A_91 : vector<16xi32>
        %gather3A = tpu.vector_load_idx %arg10[%add3A_92] : memref<49152xf32, #tpu.memory_space<vmem>>[vector<16xi32>], vector<16xf32>,
        %add3A_93 = arith.constant 1 : i32
        %add3A_94 = vector.broadcast %add3A_93 : i32 to vector<16xi32>
        %add3A_95 = arith.addi %add3A_85, %add3A_94 : vector<16xi32>
        %gather3A_96 = tpu.vector_load_idx %arg10[%add3A_95] : memref<49152xf32, #tpu.memory_space<vmem>>[vector<16xi32>], vector<16xf32>,
        %add3A_97 = arith.constant 2 : i32
        %add3A_98 = vector.broadcast %add3A_97 : i32 to vector<16xi32>
        %add3A_99 = arith.addi %add3A_85, %add3A_98 : vector<16xi32>
        %gather3A_100 = tpu.vector_load_idx %arg10[%add3A_99] : memref<49152xf32, #tpu.memory_space<vmem>>[vector<16xi32>], vector<16xf32>,
        %add3A_101 = arith.constant 3 : i32
        %add3A_102 = vector.broadcast %add3A_101 : i32 to vector<16xi32>
        %add3A_103 = arith.addi %add3A_85, %add3A_102 : vector<16xi32>
        %gather3A_104 = tpu.vector_load_idx %arg10[%add3A_103] : memref<49152xf32, #tpu.memory_space<vmem>>[vector<16xi32>], vector<16xf32>,
        %add3A_105 = arith.constant 4 : i32
        %add3A_106 = vector.broadcast %add3A_105 : i32 to vector<16xi32>
        %add3A_107 = arith.addi %add3A_85, %add3A_106 : vector<16xi32>
        %gather3A_108 = tpu.vector_load_idx %arg10[%add3A_107] : memref<49152xf32, #tpu.memory_space<vmem>>[vector<16xi32>], vector<16xf32>,
        %add3A_109 = arith.constant 5 : i32
        %add3A_110 = vector.broadcast %add3A_109 : i32 to vector<16xi32>
        %add3A_111 = arith.addi %add3A_85, %add3A_110 : vector<16xi32>
        %gather3A_112 = tpu.vector_load_idx %arg10[%add3A_111] : memref<49152xf32, #tpu.memory_space<vmem>>[vector<16xi32>], vector<16xf32>,
        %add3A_113 = arith.constant 6 : i32
        %add3A_114 = vector.broadcast %add3A_113 : i32 to vector<16xi32>
        %add3A_115 = arith.addi %add3A_85, %add3A_114 : vector<16xi32>
        %gather3A_116 = tpu.vector_load_idx %arg10[%add3A_115] : memref<49152xf32, #tpu.memory_space<vmem>>[vector<16xi32>], vector<16xf32>,
        %add3A_117 = arith.constant 7 : i32
        %add3A_118 = vector.broadcast %add3A_117 : i32 to vector<16xi32>
        %add3A_119 = arith.addi %add3A_85, %add3A_118 : vector<16xi32>
        %gather3A_120 = tpu.vector_load_idx %arg10[%add3A_119] : memref<49152xf32, #tpu.memory_space<vmem>>[vector<16xi32>], vector<16xf32>,
        %add3A_121 = arith.constant 8 : i32
        %add3A_122 = vector.broadcast %add3A_121 : i32 to vector<16xi32>
        %add3A_123 = arith.addi %add3A_85, %add3A_122 : vector<16xi32>
        %gather3A_124 = tpu.vector_load_idx %arg10[%add3A_123] : memref<49152xf32, #tpu.memory_space<vmem>>[vector<16xi32>], vector<16xf32>,
        %add3A_125 = arith.constant 9 : i32
        %add3A_126 = vector.broadcast %add3A_125 : i32 to vector<16xi32>
        %add3A_127 = arith.addi %add3A_85, %add3A_126 : vector<16xi32>
        %gather3A_128 = tpu.vector_load_idx %arg10[%add3A_127] : memref<49152xf32, #tpu.memory_space<vmem>>[vector<16xi32>], vector<16xf32>,
        %add3A_129 = arith.constant 10 : i32
        %add3A_130 = vector.broadcast %add3A_129 : i32 to vector<16xi32>
        %add3A_131 = arith.addi %add3A_85, %add3A_130 : vector<16xi32>
        %gather3A_132 = tpu.vector_load_idx %arg10[%add3A_131] : memref<49152xf32, #tpu.memory_space<vmem>>[vector<16xi32>], vector<16xf32>,
        %add3A_133 = arith.constant 11 : i32
        %add3A_134 = vector.broadcast %add3A_133 : i32 to vector<16xi32>
        %add3A_135 = arith.addi %add3A_85, %add3A_134 : vector<16xi32>
        %gather3A_136 = tpu.vector_load_idx %arg10[%add3A_135] : memref<49152xf32, #tpu.memory_space<vmem>>[vector<16xi32>], vector<16xf32>,
        %add3A_137 = arith.constant 12 : i32
        %add3A_138 = vector.broadcast %add3A_137 : i32 to vector<16xi32>
        %add3A_139 = arith.addi %add3A_85, %add3A_138 : vector<16xi32>
        %gather3A_140 = tpu.vector_load_idx %arg10[%add3A_139] : memref<49152xf32, #tpu.memory_space<vmem>>[vector<16xi32>], vector<16xf32>,
        %add3A_141 = arith.constant 13 : i32
        %add3A_142 = vector.broadcast %add3A_141 : i32 to vector<16xi32>
        %add3A_143 = arith.addi %add3A_85, %add3A_142 : vector<16xi32>
        %gather3A_144 = tpu.vector_load_idx %arg10[%add3A_143] : memref<49152xf32, #tpu.memory_space<vmem>>[vector<16xi32>], vector<16xf32>,
        %add3A_145 = arith.constant 14 : i32
        %add3A_146 = vector.broadcast %add3A_145 : i32 to vector<16xi32>
        %add3A_147 = arith.addi %add3A_85, %add3A_146 : vector<16xi32>
        %gather3A_148 = tpu.vector_load_idx %arg10[%add3A_147] : memref<49152xf32, #tpu.memory_space<vmem>>[vector<16xi32>], vector<16xf32>,
        %add3A_149 = arith.constant 15 : i32
        %add3A_150 = vector.broadcast %add3A_149 : i32 to vector<16xi32>
        %add3A_151 = arith.addi %add3A_85, %add3A_150 : vector<16xi32>
        %gather3A_152 = tpu.vector_load_idx %arg10[%add3A_151] : memref<49152xf32, #tpu.memory_space<vmem>>[vector<16xi32>], vector<16xf32>,
        %add3A_153 = arith.constant 16 : i32
        %add3A_154 = vector.broadcast %add3A_153 : i32 to vector<16xi32>
        %add3A_155 = arith.addi %add3A_85, %add3A_154 : vector<16xi32>
        %gather3A_156 = tpu.vector_load_idx %arg10[%add3A_155] : memref<49152xf32, #tpu.memory_space<vmem>>[vector<16xi32>], vector<16xf32>,
        %add3A_157 = arith.constant 17 : i32
        %add3A_158 = vector.broadcast %add3A_157 : i32 to vector<16xi32>
        %add3A_159 = arith.addi %add3A_85, %add3A_158 : vector<16xi32>
        %gather3A_160 = tpu.vector_load_idx %arg10[%add3A_159] : memref<49152xf32, #tpu.memory_space<vmem>>[vector<16xi32>], vector<16xf32>,
        %add3A_161 = arith.constant 18 : i32
        %add3A_162 = vector.broadcast %add3A_161 : i32 to vector<16xi32>
        %add3A_163 = arith.addi %add3A_85, %add3A_162 : vector<16xi32>
        %gather3A_164 = tpu.vector_load_idx %arg10[%add3A_163] : memref<49152xf32, #tpu.memory_space<vmem>>[vector<16xi32>], vector<16xf32>,
        %add3A_165 = arith.constant 19 : i32
        %add3A_166 = vector.broadcast %add3A_165 : i32 to vector<16xi32>
        %add3A_167 = arith.addi %add3A_85, %add3A_166 : vector<16xi32>
        %gather3A_168 = tpu.vector_load_idx %arg10[%add3A_167] : memref<49152xf32, #tpu.memory_space<vmem>>[vector<16xi32>], vector<16xf32>,
        %add3A_169 = arith.constant 20 : i32
        %add3A_170 = vector.broadcast %add3A_169 : i32 to vector<16xi32>
        %add3A_171 = arith.addi %add3A_85, %add3A_170 : vector<16xi32>
        %gather3A_172 = tpu.vector_load_idx %arg10[%add3A_171] : memref<49152xf32, #tpu.memory_space<vmem>>[vector<16xi32>], vector<16xf32>,
        %add3A_173 = arith.constant 21 : i32
        %add3A_174 = vector.broadcast %add3A_173 : i32 to vector<16xi32>
        %add3A_175 = arith.addi %add3A_85, %add3A_174 : vector<16xi32>
        %gather3A_176 = tpu.vector_load_idx %arg10[%add3A_175] : memref<49152xf32, #tpu.memory_space<vmem>>[vector<16xi32>], vector<16xf32>,
        %add3A_177 = arith.constant 22 : i32
        %add3A_178 = vector.broadcast %add3A_177 : i32 to vector<16xi32>
        %add3A_179 = arith.addi %add3A_85, %add3A_178 : vector<16xi32>
        %gather3A_180 = tpu.vector_load_idx %arg10[%add3A_179] : memref<49152xf32, #tpu.memory_space<vmem>>[vector<16xi32>], vector<16xf32>,
        %add3A_181 = arith.constant 23 : i32
        %add3A_182 = vector.broadcast %add3A_181 : i32 to vector<16xi32>
        %add3A_183 = arith.addi %add3A_85, %add3A_182 : vector<16xi32>
        %gather3A_184 = tpu.vector_load_idx %arg10[%add3A_183] : memref<49152xf32, #tpu.memory_space<vmem>>[vector<16xi32>], vector<16xf32>,
        %add3A_185 = arith.constant 24 : i32
        %add3A_186 = vector.broadcast %add3A_185 : i32 to vector<16xi32>
        %add3A_187 = arith.addi %add3A_85, %add3A_186 : vector<16xi32>
        %gather3A_188 = tpu.vector_load_idx %arg10[%add3A_187] : memref<49152xf32, #tpu.memory_space<vmem>>[vector<16xi32>], vector<16xf32>,
        %add3A_189 = arith.constant 25 : i32
        %add3A_190 = vector.broadcast %add3A_189 : i32 to vector<16xi32>
        %add3A_191 = arith.addi %add3A_85, %add3A_190 : vector<16xi32>
        %gather3A_192 = tpu.vector_load_idx %arg10[%add3A_191] : memref<49152xf32, #tpu.memory_space<vmem>>[vector<16xi32>], vector<16xf32>,
        %add3A_193 = arith.constant 26 : i32
        %add3A_194 = vector.broadcast %add3A_193 : i32 to vector<16xi32>
        %add3A_195 = arith.addi %add3A_85, %add3A_194 : vector<16xi32>
        %gather3A_196 = tpu.vector_load_idx %arg10[%add3A_195] : memref<49152xf32, #tpu.memory_space<vmem>>[vector<16xi32>], vector<16xf32>,
        %add3A_197 = arith.constant 27 : i32
        %add3A_198 = vector.broadcast %add3A_197 : i32 to vector<16xi32>
        %add3A_199 = arith.addi %add3A_85, %add3A_198 : vector<16xi32>
        %gather3A_200 = tpu.vector_load_idx %arg10[%add3A_199] : memref<49152xf32, #tpu.memory_space<vmem>>[vector<16xi32>], vector<16xf32>,
        %add3A_201 = arith.constant 28 : i32
        %add3A_202 = vector.broadcast %add3A_201 : i32 to vector<16xi32>
        %add3A_203 = arith.addi %add3A_85, %add3A_202 : vector<16xi32>
        %gather3A_204 = tpu.vector_load_idx %arg10[%add3A_203] : memref<49152xf32, #tpu.memory_space<vmem>>[vector<16xi32>], vector<16xf32>,
        %add3A_205 = arith.constant 29 : i32
        %add3A_206 = vector.broadcast %add3A_205 : i32 to vector<16xi32>
        %add3A_207 = arith.addi %add3A_85, %add3A_206 : vector<16xi32>
        %gather3A_208 = tpu.vector_load_idx %arg10[%add3A_207] : memref<49152xf32, #tpu.memory_space<vmem>>[vector<16xi32>], vector<16xf32>,
        %add3A_209 = arith.constant 30 : i32
        %add3A_210 = vector.broadcast %add3A_209 : i32 to vector<16xi32>
        %add3A_211 = arith.addi %add3A_85, %add3A_210 : vector<16xi32>
        %gather3A_212 = tpu.vector_load_idx %arg10[%add3A_211] : memref<49152xf32, #tpu.memory_space<vmem>>[vector<16xi32>], vector<16xf32>,
        %add3A_213 = arith.constant 31 : i32
        %add3A_214 = vector.broadcast %add3A_213 : i32 to vector<16xi32>
        %add3A_215 = arith.addi %add3A_85, %add3A_214 : vector<16xi32>
        %gather3A_216 = tpu.vector_load_idx %arg10[%add3A_215] : memref<49152xf32, #tpu.memory_space<vmem>>[vector<16xi32>], vector<16xf32>,
        %add3A_217 = arith.constant 0 : i32
        %add3A_218 = vector.broadcast %add3A_217 : i32 to vector<16xi32>
        %add3A_219 = arith.addi %add3A_89, %add3A_218 : vector<16xi32>
        %mul3A_220 = arith.mulf %gather3A, %select_n3A : vector<16xf32>
        tpu.vector_store_idx %arg11[%add3A_219], %mul3A_220 {add = true} : memref<32768xf32, #tpu.memory_space<vmem>>[vector<16xi32>], vector<16xf32>,
        %add3A_221 = arith.constant 1 : i32
        %add3A_222 = vector.broadcast %add3A_221 : i32 to vector<16xi32>
        %add3A_223 = arith.addi %add3A_89, %add3A_222 : vector<16xi32>
        %mul3A_224 = arith.mulf %gather3A_96, %select_n3A : vector<16xf32>
        tpu.vector_store_idx %arg11[%add3A_223], %mul3A_224 {add = true} : memref<32768xf32, #tpu.memory_space<vmem>>[vector<16xi32>], vector<16xf32>,
        %add3A_225 = arith.constant 2 : i32
        %add3A_226 = vector.broadcast %add3A_225 : i32 to vector<16xi32>
        %add3A_227 = arith.addi %add3A_89, %add3A_226 : vector<16xi32>
        %mul3A_228 = arith.mulf %gather3A_100, %select_n3A : vector<16xf32>
        tpu.vector_store_idx %arg11[%add3A_227], %mul3A_228 {add = true} : memref<32768xf32, #tpu.memory_space<vmem>>[vector<16xi32>], vector<16xf32>,
        %add3A_229 = arith.constant 3 : i32
        %add3A_230 = vector.broadcast %add3A_229 : i32 to vector<16xi32>
        %add3A_231 = arith.addi %add3A_89, %add3A_230 : vector<16xi32>
        %mul3A_232 = arith.mulf %gather3A_104, %select_n3A : vector<16xf32>
        tpu.vector_store_idx %arg11[%add3A_231], %mul3A_232 {add = true} : memref<32768xf32, #tpu.memory_space<vmem>>[vector<16xi32>], vector<16xf32>,
        %add3A_233 = arith.constant 4 : i32
        %add3A_234 = vector.broadcast %add3A_233 : i32 to vector<16xi32>
        %add3A_235 = arith.addi %add3A_89, %add3A_234 : vector<16xi32>
        %mul3A_236 = arith.mulf %gather3A_108, %select_n3A : vector<16xf32>
        tpu.vector_store_idx %arg11[%add3A_235], %mul3A_236 {add = true} : memref<32768xf32, #tpu.memory_space<vmem>>[vector<16xi32>], vector<16xf32>,
        %add3A_237 = arith.constant 5 : i32
        %add3A_238 = vector.broadcast %add3A_237 : i32 to vector<16xi32>
        %add3A_239 = arith.addi %add3A_89, %add3A_238 : vector<16xi32>
        %mul3A_240 = arith.mulf %gather3A_112, %select_n3A : vector<16xf32>
        tpu.vector_store_idx %arg11[%add3A_239], %mul3A_240 {add = true} : memref<32768xf32, #tpu.memory_space<vmem>>[vector<16xi32>], vector<16xf32>,
        %add3A_241 = arith.constant 6 : i32
        %add3A_242 = vector.broadcast %add3A_241 : i32 to vector<16xi32>
        %add3A_243 = arith.addi %add3A_89, %add3A_242 : vector<16xi32>
        %mul3A_244 = arith.mulf %gather3A_116, %select_n3A : vector<16xf32>
        tpu.vector_store_idx %arg11[%add3A_243], %mul3A_244 {add = true} : memref<32768xf32, #tpu.memory_space<vmem>>[vector<16xi32>], vector<16xf32>,
        %add3A_245 = arith.constant 7 : i32
        %add3A_246 = vector.broadcast %add3A_245 : i32 to vector<16xi32>
        %add3A_247 = arith.addi %add3A_89, %add3A_246 : vector<16xi32>
        %mul3A_248 = arith.mulf %gather3A_120, %select_n3A : vector<16xf32>
        tpu.vector_store_idx %arg11[%add3A_247], %mul3A_248 {add = true} : memref<32768xf32, #tpu.memory_space<vmem>>[vector<16xi32>], vector<16xf32>,
        %add3A_249 = arith.constant 8 : i32
        %add3A_250 = vector.broadcast %add3A_249 : i32 to vector<16xi32>
        %add3A_251 = arith.addi %add3A_89, %add3A_250 : vector<16xi32>
        %mul3A_252 = arith.mulf %gather3A_124, %select_n3A : vector<16xf32>
        tpu.vector_store_idx %arg11[%add3A_251], %mul3A_252 {add = true} : memref<32768xf32, #tpu.memory_space<vmem>>[vector<16xi32>], vector<16xf32>,
        %add3A_253 = arith.constant 9 : i32
        %add3A_254 = vector.broadcast %add3A_253 : i32 to vector<16xi32>
        %add3A_255 = arith.addi %add3A_89, %add3A_254 : vector<16xi32>
        %mul3A_256 = arith.mulf %gather3A_128, %select_n3A : vector<16xf32>
        tpu.vector_store_idx %arg11[%add3A_255], %mul3A_256 {add = true} : memref<32768xf32, #tpu.memory_space<vmem>>[vector<16xi32>], vector<16xf32>,
        %add3A_257 = arith.constant 10 : i32
        %add3A_258 = vector.broadcast %add3A_257 : i32 to vector<16xi32>
        %add3A_259 = arith.addi %add3A_89, %add3A_258 : vector<16xi32>
        %mul3A_260 = arith.mulf %gather3A_132, %select_n3A : vector<16xf32>
        tpu.vector_store_idx %arg11[%add3A_259], %mul3A_260 {add = true} : memref<32768xf32, #tpu.memory_space<vmem>>[vector<16xi32>], vector<16xf32>,
        %add3A_261 = arith.constant 11 : i32
        %add3A_262 = vector.broadcast %add3A_261 : i32 to vector<16xi32>
        %add3A_263 = arith.addi %add3A_89, %add3A_262 : vector<16xi32>
        %mul3A_264 = arith.mulf %gather3A_136, %select_n3A : vector<16xf32>
        tpu.vector_store_idx %arg11[%add3A_263], %mul3A_264 {add = true} : memref<32768xf32, #tpu.memory_space<vmem>>[vector<16xi32>], vector<16xf32>,
        %add3A_265 = arith.constant 12 : i32
        %add3A_266 = vector.broadcast %add3A_265 : i32 to vector<16xi32>
        %add3A_267 = arith.addi %add3A_89, %add3A_266 : vector<16xi32>
        %mul3A_268 = arith.mulf %gather3A_140, %select_n3A : vector<16xf32>
        tpu.vector_store_idx %arg11[%add3A_267], %mul3A_268 {add = true} : memref<32768xf32, #tpu.memory_space<vmem>>[vector<16xi32>], vector<16xf32>,
        %add3A_269 = arith.constant 13 : i32
        %add3A_270 = vector.broadcast %add3A_269 : i32 to vector<16xi32>
        %add3A_271 = arith.addi %add3A_89, %add3A_270 : vector<16xi32>
        %mul3A_272 = arith.mulf %gather3A_144, %select_n3A : vector<16xf32>
        tpu.vector_store_idx %arg11[%add3A_271], %mul3A_272 {add = true} : memref<32768xf32, #tpu.memory_space<vmem>>[vector<16xi32>], vector<16xf32>,
        %add3A_273 = arith.constant 14 : i32
        %add3A_274 = vector.broadcast %add3A_273 : i32 to vector<16xi32>
        %add3A_275 = arith.addi %add3A_89, %add3A_274 : vector<16xi32>
        %mul3A_276 = arith.mulf %gather3A_148, %select_n3A : vector<16xf32>
        tpu.vector_store_idx %arg11[%add3A_275], %mul3A_276 {add = true} : memref<32768xf32, #tpu.memory_space<vmem>>[vector<16xi32>], vector<16xf32>,
        %add3A_277 = arith.constant 15 : i32
        %add3A_278 = vector.broadcast %add3A_277 : i32 to vector<16xi32>
        %add3A_279 = arith.addi %add3A_89, %add3A_278 : vector<16xi32>
        %mul3A_280 = arith.mulf %gather3A_152, %select_n3A : vector<16xf32>
        tpu.vector_store_idx %arg11[%add3A_279], %mul3A_280 {add = true} : memref<32768xf32, #tpu.memory_space<vmem>>[vector<16xi32>], vector<16xf32>,
        %add3A_281 = arith.constant 16 : i32
        %add3A_282 = vector.broadcast %add3A_281 : i32 to vector<16xi32>
        %add3A_283 = arith.addi %add3A_89, %add3A_282 : vector<16xi32>
        %mul3A_284 = arith.mulf %gather3A_156, %select_n3A : vector<16xf32>
        tpu.vector_store_idx %arg11[%add3A_283], %mul3A_284 {add = true} : memref<32768xf32, #tpu.memory_space<vmem>>[vector<16xi32>], vector<16xf32>,
        %add3A_285 = arith.constant 17 : i32
        %add3A_286 = vector.broadcast %add3A_285 : i32 to vector<16xi32>
        %add3A_287 = arith.addi %add3A_89, %add3A_286 : vector<16xi32>
        %mul3A_288 = arith.mulf %gather3A_160, %select_n3A : vector<16xf32>
        tpu.vector_store_idx %arg11[%add3A_287], %mul3A_288 {add = true} : memref<32768xf32, #tpu.memory_space<vmem>>[vector<16xi32>], vector<16xf32>,
        %add3A_289 = arith.constant 18 : i32
        %add3A_290 = vector.broadcast %add3A_289 : i32 to vector<16xi32>
        %add3A_291 = arith.addi %add3A_89, %add3A_290 : vector<16xi32>
        %mul3A_292 = arith.mulf %gather3A_164, %select_n3A : vector<16xf32>
        tpu.vector_store_idx %arg11[%add3A_291], %mul3A_292 {add = true} : memref<32768xf32, #tpu.memory_space<vmem>>[vector<16xi32>], vector<16xf32>,
        %add3A_293 = arith.constant 19 : i32
        %add3A_294 = vector.broadcast %add3A_293 : i32 to vector<16xi32>
        %add3A_295 = arith.addi %add3A_89, %add3A_294 : vector<16xi32>
        %mul3A_296 = arith.mulf %gather3A_168, %select_n3A : vector<16xf32>
        tpu.vector_store_idx %arg11[%add3A_295], %mul3A_296 {add = true} : memref<32768xf32, #tpu.memory_space<vmem>>[vector<16xi32>], vector<16xf32>,
        %add3A_297 = arith.constant 20 : i32
        %add3A_298 = vector.broadcast %add3A_297 : i32 to vector<16xi32>
        %add3A_299 = arith.addi %add3A_89, %add3A_298 : vector<16xi32>
        %mul3A_300 = arith.mulf %gather3A_172, %select_n3A : vector<16xf32>
        tpu.vector_store_idx %arg11[%add3A_299], %mul3A_300 {add = true} : memref<32768xf32, #tpu.memory_space<vmem>>[vector<16xi32>], vector<16xf32>,
        %add3A_301 = arith.constant 21 : i32
        %add3A_302 = vector.broadcast %add3A_301 : i32 to vector<16xi32>
        %add3A_303 = arith.addi %add3A_89, %add3A_302 : vector<16xi32>
        %mul3A_304 = arith.mulf %gather3A_176, %select_n3A : vector<16xf32>
        tpu.vector_store_idx %arg11[%add3A_303], %mul3A_304 {add = true} : memref<32768xf32, #tpu.memory_space<vmem>>[vector<16xi32>], vector<16xf32>,
        %add3A_305 = arith.constant 22 : i32
        %add3A_306 = vector.broadcast %add3A_305 : i32 to vector<16xi32>
        %add3A_307 = arith.addi %add3A_89, %add3A_306 : vector<16xi32>
        %mul3A_308 = arith.mulf %gather3A_180, %select_n3A : vector<16xf32>
        tpu.vector_store_idx %arg11[%add3A_307], %mul3A_308 {add = true} : memref<32768xf32, #tpu.memory_space<vmem>>[vector<16xi32>], vector<16xf32>,
        %add3A_309 = arith.constant 23 : i32
        %add3A_310 = vector.broadcast %add3A_309 : i32 to vector<16xi32>
        %add3A_311 = arith.addi %add3A_89, %add3A_310 : vector<16xi32>
        %mul3A_312 = arith.mulf %gather3A_184, %select_n3A : vector<16xf32>
        tpu.vector_store_idx %arg11[%add3A_311], %mul3A_312 {add = true} : memref<32768xf32, #tpu.memory_space<vmem>>[vector<16xi32>], vector<16xf32>,
        %add3A_313 = arith.constant 24 : i32
        %add3A_314 = vector.broadcast %add3A_313 : i32 to vector<16xi32>
        %add3A_315 = arith.addi %add3A_89, %add3A_314 : vector<16xi32>
        %mul3A_316 = arith.mulf %gather3A_188, %select_n3A : vector<16xf32>
        tpu.vector_store_idx %arg11[%add3A_315], %mul3A_316 {add = true} : memref<32768xf32, #tpu.memory_space<vmem>>[vector<16xi32>], vector<16xf32>,
        %add3A_317 = arith.constant 25 : i32
        %add3A_318 = vector.broadcast %add3A_317 : i32 to vector<16xi32>
        %add3A_319 = arith.addi %add3A_89, %add3A_318 : vector<16xi32>
        %mul3A_320 = arith.mulf %gather3A_192, %select_n3A : vector<16xf32>
        tpu.vector_store_idx %arg11[%add3A_319], %mul3A_320 {add = true} : memref<32768xf32, #tpu.memory_space<vmem>>[vector<16xi32>], vector<16xf32>,
        %add3A_321 = arith.constant 26 : i32
        %add3A_322 = vector.broadcast %add3A_321 : i32 to vector<16xi32>
        %add3A_323 = arith.addi %add3A_89, %add3A_322 : vector<16xi32>
        %mul3A_324 = arith.mulf %gather3A_196, %select_n3A : vector<16xf32>
        tpu.vector_store_idx %arg11[%add3A_323], %mul3A_324 {add = true} : memref<32768xf32, #tpu.memory_space<vmem>>[vector<16xi32>], vector<16xf32>,
        %add3A_325 = arith.constant 27 : i32
        %add3A_326 = vector.broadcast %add3A_325 : i32 to vector<16xi32>
        %add3A_327 = arith.addi %add3A_89, %add3A_326 : vector<16xi32>
        %mul3A_328 = arith.mulf %gather3A_200, %select_n3A : vector<16xf32>
        tpu.vector_store_idx %arg11[%add3A_327], %mul3A_328 {add = true} : memref<32768xf32, #tpu.memory_space<vmem>>[vector<16xi32>], vector<16xf32>,
        %add3A_329 = arith.constant 28 : i32
        %add3A_330 = vector.broadcast %add3A_329 : i32 to vector<16xi32>
        %add3A_331 = arith.addi %add3A_89, %add3A_330 : vector<16xi32>
        %mul3A_332 = arith.mulf %gather3A_204, %select_n3A : vector<16xf32>
        tpu.vector_store_idx %arg11[%add3A_331], %mul3A_332 {add = true} : memref<32768xf32, #tpu.memory_space<vmem>>[vector<16xi32>], vector<16xf32>,
        %add3A_333 = arith.constant 29 : i32
        %add3A_334 = vector.broadcast %add3A_333 : i32 to vector<16xi32>
        %add3A_335 = arith.addi %add3A_89, %add3A_334 : vector<16xi32>
        %mul3A_336 = arith.mulf %gather3A_208, %select_n3A : vector<16xf32>
        tpu.vector_store_idx %arg11[%add3A_335], %mul3A_336 {add = true} : memref<32768xf32, #tpu.memory_space<vmem>>[vector<16xi32>], vector<16xf32>,
        %add3A_337 = arith.constant 30 : i32
        %add3A_338 = vector.broadcast %add3A_337 : i32 to vector<16xi32>
        %add3A_339 = arith.addi %add3A_89, %add3A_338 : vector<16xi32>
        %mul3A_340 = arith.mulf %gather3A_212, %select_n3A : vector<16xf32>
        tpu.vector_store_idx %arg11[%add3A_339], %mul3A_340 {add = true} : memref<32768xf32, #tpu.memory_space<vmem>>[vector<16xi32>], vector<16xf32>,
        %add3A_341 = arith.constant 31 : i32
        %add3A_342 = vector.broadcast %add3A_341 : i32 to vector<16xi32>
        %add3A_343 = arith.addi %add3A_89, %add3A_342 : vector<16xi32>
        %mul3A_344 = arith.mulf %gather3A_216, %select_n3A : vector<16xf32>
        tpu.vector_store_idx %arg11[%add3A_343], %mul3A_344 {add = true} : memref<32768xf32, #tpu.memory_space<vmem>>[vector<16xi32>], vector<16xf32>,
        %scan3A_345 = arith.constant 0 : i32
        scf.yield %scan3A_345 : i32
      }
      %scan3A_48 = arith.constant 128 : i32
      %while3A_49 = arith.constant 0 : i32
      scf.yield %while3A_49 : i32
    }
    %scan3A_30 = arith.constant 0 : i32
    %scan3A_31 = arith.constant 0 : i32
    %scan3A_32 = arith.constant 512 : i32
    %scan3A_33 = arith.addi %scan3A_31, %scan3A_32 : i32
    %scan3A_34 = arith.constant 1 : i32
    %scan3A_35 = scf.for %scan3A_37 = %scan3A_31 to %scan3A_33 step %scan3A_34 iter_args(%scan3A_38 = %scan3A_30) -> (i32)  : i32 {
      %mul3A_39 = arith.constant 64 : i32
      %mul3A_40 = arith.muli %scan3A_37, %mul3A_39 : i32
      %get3A_41 = arith.index_cast %mul3A_40 : i32 to index
      %get3A_42 = tpu.vector_load %arg11[%get3A_41] {strides = array<i32>} : memref<32768xf32, #tpu.memory_space<vmem>>, vector<16xf32>,
      %mul3A_43 = arith.constant 64 : i32
      %mul3A_44 = arith.muli %scan3A_37, %mul3A_43 : i32
      %add3A_45 = arith.constant 16 : i32
      %add3A_46 = arith.addi %mul3A_44, %add3A_45 : i32
      %get3A_47 = arith.index_cast %add3A_46 : i32 to index
      %get3A_48 = tpu.vector_load %arg11[%get3A_47] {strides = array<i32>} : memref<32768xf32, #tpu.memory_space<vmem>>, vector<16xf32>,
      %mul3A_49 = arith.constant 64 : i32
      %mul3A_50 = arith.muli %scan3A_37, %mul3A_49 : i32
      %add3A_51 = arith.constant 32 : i32
      %add3A_52 = arith.addi %mul3A_50, %add3A_51 : i32
      %get3A_53 = arith.index_cast %add3A_52 : i32 to index
      %get3A_54 = tpu.vector_load %arg11[%get3A_53] {strides = array<i32>} : memref<32768xf32, #tpu.memory_space<vmem>>, vector<16xf32>,
      %mul3A_55 = arith.constant 64 : i32
      %mul3A_56 = arith.muli %scan3A_37, %mul3A_55 : i32
      %add3A_57 = arith.constant 48 : i32
      %add3A_58 = arith.addi %mul3A_56, %add3A_57 : i32
      %get3A_59 = arith.index_cast %add3A_58 : i32 to index
      %get3A_60 = tpu.vector_load %arg11[%get3A_59] {strides = array<i32>} : memref<32768xf32, #tpu.memory_space<vmem>>, vector<16xf32>,
      %add3A_61 = arith.addf %get3A_42, %get3A_54 : vector<16xf32>
      %swap3A = arith.index_cast %scan3A_37 : i32 to index
      %swap3A_62 = arith.constant 0 : index
      %swap3A_63 = tpu.vector_load %arg15[%swap3A, %swap3A_62] {strides = array<i32>} : memref<512x32xf32, #tpu.memory_space<vmem>>, vector<16xf32>,
      tpu.vector_store %arg15[%swap3A, %swap3A_62], %add3A_61 {strides = array<i32>} : memref<512x32xf32, #tpu.memory_space<vmem>>, vector<16xf32>,
      %add3A_64 = arith.addf %get3A_48, %get3A_60 : vector<16xf32>
      %swap3A_65 = arith.index_cast %scan3A_37 : i32 to index
      %swap3A_66 = arith.constant 16 : index
      %swap3A_67 = tpu.vector_load %arg15[%swap3A_65, %swap3A_66] {strides = array<i32>} : memref<512x32xf32, #tpu.memory_space<vmem>>, vector<16xf32>,
      tpu.vector_store %arg15[%swap3A_65, %swap3A_66], %add3A_64 {strides = array<i32>} : memref<512x32xf32, #tpu.memory_space<vmem>>, vector<16xf32>,
      %scan3A_68 = arith.constant 0 : i32
      scf.yield %scan3A_68 : i32
    }
    %scan3A_36 = arith.constant 512 : i32
    "tpu.region"() ({
      %run_scoped3A = tpu.sem_alloc : memref<!tpu.dma_semaphore, #tpu.memory_space<semaphore_mem>>
      %dma_start3A = arith.constant 0 : i32
      %dma_start3A_37 = tpu.memref_slice %arg7[%mul3A_2, %dma_start3A] : memref<16384x32xf32, #tpu.memory_space<hbm>> -> memref<512x32xf32, #tpu.memory_space<hbm>>
      %dma_start3A_38 = arith.constant 0 : i32
      %dma_start3A_39 = tpu.memref_slice %arg7[%mul3A_2, %dma_start3A_38] : memref<16384x32xf32, #tpu.memory_space<hbm>> -> memref<512x32xf32, #tpu.memory_space<hbm>>
      tpu.enqueue_dma source(%arg15 : memref<512x32xf32, #tpu.memory_space<vmem>>) target(%dma_start3A_39 : memref<512x32xf32, #tpu.memory_space<hbm>>) target_semaphore(%run_scoped3A : memref<!tpu.dma_semaphore, #tpu.memory_space<semaphore_mem>>)
      %dma_wait3A = arith.constant 0 : i32
      %dma_wait3A_40 = tpu.memref_slice %arg7[%mul3A_2, %dma_wait3A] : memref<16384x32xf32, #tpu.memory_space<hbm>> -> memref<512x32xf32, #tpu.memory_space<hbm>>
      %dma_wait3A_41 = arith.constant 0 : i32
      %dma_wait3A_42 = tpu.memref_slice %arg7[%mul3A_2, %dma_wait3A_41] : memref<16384x32xf32, #tpu.memory_space<hbm>> -> memref<512x32xf32, #tpu.memory_space<hbm>>
      tpu.wait_dma2 semaphore(%run_scoped3A : memref<!tpu.dma_semaphore, #tpu.memory_space<semaphore_mem>>) src(%arg15 : memref<512x32xf32, #tpu.memory_space<vmem>>) dst(%dma_wait3A_42 : memref<512x32xf32, #tpu.memory_space<hbm>>)
      tpu.yield
    }) : () -> ()
    return
  }
}

</mosaic_0001>

<sc_bundles>
// kernel: kernel.3.cloned.1.call-start
scs
__scs_entry_jumppad:
0x0: {  	(pc) =	sbr.rel $0x88, $3  }
0x1: {  	(tag) =	ssettag $0x0;
	lr =	simm.s32 $0x1  }
0x2: {  	[smem:$0x3F9D] =	sst lr;
	_ =	strace $0xD0000000  }
0x3: {  	_ = 	snop  }
0x4: {  	_ = 	snop  }
0x5: {  	_ = 	snop  }
0x6: {  	_ = 	snop  }
0x7: {  	_ = 	snop  }
__scs_overlays_trampoline_lowered:
0x8: {  	[smem:$0x3FAC] =	sst s0  }
0x9: {  	[smem:$0x3FAD] =	sst s1  }
0xa: {  	[smem:$0x3FAE] =	sst s2  }
0xb: {  	[smem:$0x3FAF] =	sst s3  }
0xc: {  	[smem:$0x3FB0] =	sst s4  }
0xd: {  	[smem:$0x3FB1] =	sst s5  }
0xe: {  	[smem:$0x3FB2] =	sst s6  }
0xf: {  	[smem:$0x3FB3] =	sst s7  }
0x10: {  	[smem:$0x3FB4] =	sst s8  }
0x11: {  	[smem:$0x3FB5] =	sst s9;
	s0 =	simm.s32 @!p0 $0x0  }
0x12: {  	s1 =	sld [smem:$0x3F9B];
	s0 =	simm.s32 @p0 $0x1  }
0x13: {  	[smem:$0x3FB6] =	sst s0;
	s0 =	simm.s32 @!p1 $0x0  }
0x14: {  	s2 =	sld [smem:$0x3F9A];
	s0 =	simm.s32 @p1 $0x1  }
0x15: {  	[smem:$0x3FB7] =	sst s0;
	s0 =	simm.s32 @!p2 $0x0  }
0x16: {  	s3 =	sld [smem:$0x3FDB];
	s0 =	simm.s32 @p2 $0x1  }
0x17: {  	s4 =	simm.s32 $0x1BF5;
	[smem:$0x3FB9] =	sst s0  }
0x18: {  	s0 =	sld [smem:$0x3F9C];
	_ =	swait.ge [sflag:s4], $0x0  }
0x19: {  	s7 =	sld [smem:$0x3F9D]  }
0x1a: {  	s8 =	sadd.s32 $0xFFFFE003, lr  }
0x1b: {  	s9 =	sadd.s32 $0xFFFFFEF7, lr;
	s5 =	simm.s32 $0xFFFFFFFF;
	p2 =	slt.u32 s8, $0xFFFFF086  }
0x1c: {  	p1 =	slt.u32 s9, $0xF7A;
	s5 =	simm.s32 @!p2 $0x0  }
0x1d: {  	s5 =	simm.s32 @p1 $0x1;
	p0 =	seq.s32 s7, s2  }
0x1e: {  	s7 =	smul.u32 @!p0 $0xF7A, s2;
	p2 =	seq.s32 @!p0 s5, $0x0  }
0x1f: {  	s9 =	smul.u32 $0xF7A, s1;
	s8 =	simm.s32 @!p0 $0x1BF5;
	p2 =	por !p2, p0  }
0x20: {  	[sflag:s8] =	ssyncset.s32 @!p0 $0xFFFFF086;
	s6 =	sadd.s32 @!p0 s3, s7;
	s7 =	simm.s32 @!p0 $0x108  }
0x21: {  	s3 =	sadd.s32 s3, s9;
	s6 =	sadd.s32 @!p0 $0x88, s6;
	s7 =	simm.s32 @p2 $0x1082  }
0x22: {  	[simem:s7], [sflag:s8] =	dma.local @!p0 [hbm:s6], $0xF7A  }
0x23: {  	s9 =	sor.u32 $0xD0000000, s2;
	s6 =	simm.s32 $0x108;
	_ =	swait.ge @!p0 [sflag:s8], $0x0  }
0x24: {  	s3 =	sadd.s32 $0x88, s3;
	s6 =	simm.s32 @!p1 $0x1082;
	[sflag:s4] =	ssyncset.s32 $0xFFFFF086  }
0x25: {  	[simem:s6], [sflag:s4] =	dma.local [hbm:s3], $0xF7A  }
0x26: {  	[smem:$0x3F9D] =	sst s1;
	(tag) =	ssettag s2;
	_ =	strace s9  }
0x27: {  	s1 =	sld [smem:$0x3FAD]  }
0x28: {  	s2 =	sld [smem:$0x3FAE]  }
0x29: {  	s4 =	sld [smem:$0x3FB0]  }
0x2a: {  	p0 =	seq.s32 s5, $0x0;
	s5 =	sld [smem:$0x3FB1]  }
0x2b: {  	s6 =	sld [smem:$0x3FB2]  }
0x2c: {  	s7 =	sld [smem:$0x3FB3]  }
0x2d: {  	s3 =	simm.s32 $0x108;
	s8 =	sld [smem:$0x3FB4]  }
0x2e: {  	s3 =	simm.s32 @!p0 $0x1082;
	s9 =	sld [smem:$0x3FB5]  }
0x2f: {  	lr =	sadd.s32 s0, s3;
	s0 =	sld [smem:$0x3FAC]  }
0x30: {  	s3 =	sld [smem:$0x3FAF]  }
0x31: {  	[smem:$0x3FB8] =	sst s10  }
0x32: {  	s10 =	sld [smem:$0x3FB6];
	_ =	sdelay $0x3  }
0x33: {  	p0 =	seq.s32 s10, $0x1;
	s10 =	sld [smem:$0x3FB8];
	_ =	sdelay $0x3  }
0x34: {  	[smem:$0x3FB8] =	sst s10  }
0x35: {  	s10 =	sld [smem:$0x3FB7];
	_ =	sdelay $0x3  }
0x36: {  	p1 =	seq.s32 s10, $0x1;
	s10 =	sld [smem:$0x3FB8];
	_ =	sdelay $0x3  }
0x37: {  	[smem:$0x3FB8] =	sst s10  }
0x38: {  	s10 =	sld [smem:$0x3FB9]  }
0x39: {  	_ = 	snop;
	(pc) =	sbr.ind lr, $3  }
0x3a: {  	_ = 	snop  }
0x3b: {  	_ = 	snop  }
0x3c: {  	p2 =	seq.s32 s10, $0x1;
	s10 =	sld [smem:$0x3FB8]  }
0x3d: {  	_ =	shalt  }
0x3e: {  	_ =	shalt  }
0x3f: {  	_ =	shalt  }
0x40: {  	_ =	shalt  }
0x41: {  	_ =	shalt  }
0x42: {  	_ =	shalt  }
0x43: {  	_ =	shalt  }
0x44: {  	_ =	shalt  }
0x45: {  	_ =	shalt  }
0x46: {  	_ =	shalt  }
0x47: {  	_ =	shalt  }
0x48: {  	_ =	shalt  }
0x49: {  	_ =	shalt  }
0x4a: {  	_ =	shalt  }
0x4b: {  	_ =	shalt  }
0x4c: {  	_ =	shalt  }
0x4d: {  	_ =	shalt  }
0x4e: {  	_ =	shalt  }
0x4f: {  	_ =	shalt  }
0x50: {  	_ =	shalt  }
0x51: {  	_ =	shalt  }
0x52: {  	_ =	shalt  }
0x53: {  	_ =	shalt  }
0x54: {  	_ =	shalt  }
0x55: {  	_ =	shalt  }
0x56: {  	_ =	shalt  }
0x57: {  	_ =	shalt  }
0x58: {  	_ =	shalt  }
0x59: {  	_ =	shalt  }
0x5a: {  	_ =	shalt  }
0x5b: {  	_ =	shalt  }
0x5c: {  	_ =	shalt  }
0x5d: {  	_ =	shalt  }
0x5e: {  	_ =	shalt  }
0x5f: {  	_ =	shalt  }
0x60: {  	_ =	shalt  }
0x61: {  	_ =	shalt  }
0x62: {  	_ =	shalt  }
0x63: {  	_ =	shalt  }
0x64: {  	_ =	shalt  }
0x65: {  	_ =	shalt  }
0x66: {  	_ =	shalt  }
0x67: {  	_ =	shalt  }
0x68: {  	_ =	shalt  }
0x69: {  	_ =	shalt  }
0x6a: {  	_ =	shalt  }
0x6b: {  	_ =	shalt  }
0x6c: {  	_ =	shalt  }
0x6d: {  	_ =	shalt  }
0x6e: {  	_ =	shalt  }
0x6f: {  	_ =	shalt  }
0x70: {  	_ =	shalt  }
0x71: {  	_ =	shalt  }
0x72: {  	_ =	shalt  }
0x73: {  	_ =	shalt  }
0x74: {  	_ =	shalt  }
0x75: {  	_ =	shalt  }
0x76: {  	_ =	shalt  }
0x77: {  	_ =	shalt  }
0x78: {  	_ =	shalt  }
0x79: {  	_ =	shalt  }
0x7a: {  	_ =	shalt  }
0x7b: {  	_ =	shalt  }
0x7c: {  	_ =	shalt  }
0x7d: {  	_ =	shalt  }
0x7e: {  	_ =	shalt  }
0x7f: {  	_ =	shalt  }
0x80: {  	_ =	shalt  }
0x81: {  	_ =	shalt  }
0x82: {  	_ =	shalt  }
0x83: {  	_ =	shalt  }
0x84: {  	_ =	shalt  }
0x85: {  	_ =	shalt  }
0x86: {  	_ =	shalt  }
0x87: {  	_ =	shalt  }
.Lfunc_end0:
.L_simem_size_0:
called_computation_lowered:
.L_overlay_start_0:
0x88: {  	s2 =	sld [smem:$0x3FD9]  }
0x89: {  	s3 =	sld [smem:$0x3FFE];
	_ =	sdelay $0x1  }
0x8a: {  	s1 =	srdreg.scid  }
0x8b: {  	s0 =	sand.u32 $0x1, s1  }
0x8c: {  	s17 =	sshll.u32 s0, $0xA;
	s2 =	sadd.s32 s3, s2  }
0x8d: {  	s2 =	sadd.s32 s2, s17  }
0x8e: {  	[smem:$0x3FC4] =	sst s2  }
0x8f: {  	_ = 	snop  }
0x90: {  	s2 =	sld [smem:$0x3FC9]  }
0x91: {  	s18 =	sld [smem:$0x3FC8]  }
0x92: {  	s4 =	sld [smem:$0x3FC7]  }
0x93: {  	s5 =	sld [smem:$0x3FD0];
	(tm) =	ssettm $0x1  }
0x94: {  	s6 =	sld [smem:$0x3FFB];
	_ =	sdelay $0x3  }
0x95: {  	_ =	strace s6  }
0x96: {  	s6 =	sld [smem:$0x3FFC];
	_ =	sdelay $0x3  }
0x97: {  	_ =	strace s6  }
0x98: {  	s6 =	sld [smem:$0x3FFD];
	_ =	sdelay $0x3  }
0x99: {  	_ =	strace s6  }
0x9a: {  	_ =	strace $0x8FFFFFFF  }
0x9b: {  	s19 =	sld [smem:$0x3FDB];
	_ =	sdelay $0x1  }
0x9c: {  	s7 =	simm.s32 $_scs_section_size  }
0x9d: {  	s8 =	simm.s32 $_size__tile_overlayer_lowered;
	s9 =	simm.s32 $_tile_overlayer_lowered  }
0x9e: {  	s22 =	simm.s32 $0x1BFF;
	s21 =	sshll.u32 s9, $0x1;
	s6 =	sadd.s32 s7, s19  }
0x9f: {  	s10 =	simm.s32 $0x0;
	s20 =	sshll.u32 s8, $0x1;
	s8 =	sadd.s32 s21, s6  }
0xa0: {  	[timem:s10], [sflag:s22] =	dma.local [hbm:s8], s20  }
0xa1: {  	_ =	swait.ge [sflag:s22], s20  }
0xa2: {  	s7 =	ssub.s32 $0x0, s20;
	[sflag:s22] =	ssyncset.done $0x0  }
0xa3: {  	[sflag:s22] =	ssyncadd.s32 s7;
	_ =	sdelay $0x1  }
0xa4: {  	s23 =	simm.s32 $0x1B8B  }
0xa5: {  	_ =	swait.ge [sflag:s23], $0x1  }
0xa6: {  	[sflag:s23] =	ssyncset.done $0x0  }
0xa7: {  	s25 =	simm.s32 $0x1B8E;
	s24 =	sld [smem:$0x3FFE];
	[sflag:s23] =	ssyncadd.s32 $0xFFFFFFFF  }
0xa8: {  	s26 =	simm.s32 $execute0_lowered;
	[smem:$0x3FD2] =	sst s25  }
0xa9: {  	s8 =	sshll.u32 s26, $0x1;
	_ =	strace $0x80000046;
	[dreg:$0x1] =	wrdreg $0xFFFFFFFF  }
0xaa: {  	s28 =	simm.s32 $_size_execute0_lowered;
	s6 =	sadd.s32 s6, s8;
	[dreg:$0x0] =	wrdreg $0x0  }
0xab: {  	s8 =	sshll.u32 s28, $0x1;
	[dreg:$0x2] =	wrdreg s6  }
0xac: {  	[dreg:$0x3] =	wrdreg s8  }
0xad: {  	[dreg:$0x4] =	wrdreg $0xC0  }
0xae: {  	_ =	task [dreg:s10], $0x5FFFF  }
0xaf: {  	[dreg:$0x1] =	wrdreg $0xFFFFFFFF  }
0xb0: {  	[dreg:$0x0] =	wrdreg $0x60  }
0xb1: {  	[dreg:$0x2] =	wrdreg s24  }
0xb2: {  	[dreg:$0x3] =	wrdreg s2  }
0xb3: {  	[dreg:$0x4] =	wrdreg s18  }
0xb4: {  	[dreg:$0x5] =	wrdreg s4  }
0xb5: {  	[dreg:$0x6] =	wrdreg s5  }
0xb6: {  	[dreg:$0x7] =	wrdreg $0x0  }
0xb7: {  	[dreg:$0x8] =	wrdreg $0x9  }
0xb8: {  	_ =	task.clear_ibuf [dreg:s10], $0x9FFFF;
	_ =	strace $0x90000046  }
0xb9: {  	s29 =	simm.s32 $0x9;
	_ =	strace $0x80000048  }
0xba: {  	_ =	swait.ge [sflag:s29], $0x1  }
0xbb: {  	[sflag:s29] =	ssyncadd.s32 $0xFFFFFFFF  }
0xbc: {  	_ =	strace $0x90000048  }
0xbd: {  	_ =	sfence  }
0xbe: {  	s30 =	sld [smem:$0x0];
	_ =	sdelay $0x2  }
0xbf: {  	s31 =	sshll.u32 s1, $0xD;
	s1 =	sshrl.u32 s1, $0x2  }
0xc0: {  	s3 =	sand.u32 $0x4000, s31;
	s1 =	sadd.s32 s1, s30  }
0xc1: {  	s0 =	sor.u32 s3, s0;
	s1 =	sshll.u32 s1, $0x11  }
0xc2: {  	s0 =	sor.u32 s1, s0  }
0xc3: {  	s0 =	sadd.s32 $0x8F2B, s0  }
0xc4: {  	[sflag:s0] =	ssyncadd.remote.s32 $0x1  }
0xc5: {  	_ =	sfence.sel $0xFFFF  }
0xc6: {  	[dreg:$0x0] =	wrdreg $0xFFFFFFFF;
	(pc) =	sbr.abs _section_cstart, $3  }
0xc7: {  	[dreg:$0x1] =	wrdreg $0xFFFFFFFF  }
0xc8: {  	_ =	task.clear_ibuf [dreg:s10], $0x2FFFF;
	_ =	strace $0x9FFFFFFF  }
0xc9: {  	(tm) =	ssettm $0x7FFFFFFF  }
tec
execute0_lowered:
.L_overlay_start_1:
0x0: {  	(tag) =	ssettag $0x1  }
0x1: {  	s9 =	rddreg [dreg:$0x0]  }
0x2: {  	s1 =	rddreg [dreg:$0x1]  }
0x3: {  	s2 =	srdreg.scid;
	s4 =	rddreg [dreg:$0x3]  }
0x4: {  	s0 =	stileid.u32;
	v0 =	vlaneseq.u32;
	s11 =	rddreg [dreg:$0x4]  }
0x5: {  	s6 =	rddreg [dreg:$0x5];
	s8 =	sand.u32 $0x1, s2;
	s3 =	sshll.u32 s0, $0x1;
	v2 =	vadd.s32 $0x1, v0  }
0x6: {  	s7 =	simm.s32 $0x0;
	s2 =	rddreg [dreg:$0x2];
	s3 =	sor.u32 s8, s3;
	[tilespmem:$0x1FF40] =	vst v2;
	v2 =	vadd.s32 $0x7, v0  }
0x7: {  	[smem:$0x7FF] =	sst s7;
	s5 =	sshll.u32 s3, $0x9;
	[tilespmem:$0x1FF50] =	vst v2;
	v2 =	vadd.s32 $0xC, v0  }
0x8: {  	v1 =	vimm.f32 $0.0e+00;
	v9 =	vadd.s32 $0xB, v0;
	v8 =	vmov s5;
	s5 =	rddreg [dreg:$0x6];
	_ =	strace $0x80000047;
	[tilespmem:$0x1FF60] =	vst v2  }
0x9: {  	v15 =	vadd.s32 $0x2, v0;
	v11 =	vadd.s32 $0x3, v0;
	v41 =	vadd.s32 $0x1D, v0;
	[tilespmem:$0x1FF90] =	vst v9  }
0xa: {  	v12 =	vadd.s32 $0x4, v0;
	v13 =	vadd.s32 $0x5, v0;
	v45 =	vadd.s32 $0x1E, v0;
	[tilespmem:$0x1FFB0] =	vst v41  }
0xb: {  	s16 =	simm.s32 $0x15808;
	v14 =	vadd.s32 $0x6, v0;
	v16 =	vadd.s32 $0x8, v0;
	v30 =	vadd.s32 $0x1C, v0;
	[tilespmem:$0x1FFC0] =	vst v45  }
0xc: {  	s14 =	simm.s32 $0x1;
	s17 =	simm.s32 $0x14008;
	s18 =	simm.s32 $0x14808;
	v17 =	vadd.s32 $0x9, v0;
	v18 =	vadd.s32 $0xA, v0;
	v53 =	vadd.s32 $0x1F, v0;
	[tilespmem:$0x1FFD0] =	vst v30  }
0xd: {  	s15 =	simm.s32 $0x8;
	s19 =	simm.s32 $0x15008;
	s20 =	simm.s32 $0xC008;
	v21 =	vadd.s32 $0xD, v0;
	v22 =	vadd.s32 $0xE, v0;
	v7 =	vadd.s32 $0x1B, v0;
	[tilespmem:$0x1FFE0] =	vst v53  }
0xe: {  	s21 =	simm.s32 $0x0;
	v23 =	vadd.s32 $0xF, v0;
	v24 =	vor.u32 $0x10, v0;
	s31 =	sshll.u32 s0, $0x6;
	s10 =	ssub.s32 $0x2, s8;
	v2 =	vadd.s32 $0x16, v0;
	[tilespmem:$0x1FFF0] =	vst v7  }
0xf: {  	v25 =	vadd.s32 $0x11, v0;
	v26 =	vadd.s32 $0x12, v0;
	v27 =	vadd.s32 $0x13, v0;
	s8 =	sadd.s32 $0x2000, s9;
	s9 =	sadd.s32 $0x800, s9;
	s12 =	sshrl.u32 s10, $0x1;
	[tilespmem:$0x1FF70] =	vst v2  }
0x10: {  	v28 =	vadd.s32 $0x14, v0;
	v29 =	vadd.s32 $0x15, v0;
	s13 =	sshll.u32 s3, $0xB;
	s12 =	ssub.s32 s10, s12;
	s10 =	sor.u32 $0x1C01, s31;
	v2 =	vadd.s32 $0x17, v0;
	[tilespmem:$0x1FFA0] =	vst v8  }
0x11: {  	v32 =	vadd.s32 $0x18, v0;
	v33 =	vadd.s32 $0x19, v0;
	v34 =	vadd.s32 $0x1A, v0;
	s11 =	sadd.s32 s11, s13;
	s13 =	sshrl.u32 s6, $0x3;
	s12 =	smax.u32 s12, $0x1;
	[tilespmem:$0x1FF80] =	vst v2  }
.LBB2_1:
0x12: {  	[spmem:s13], [sflag:s10] =	dma.local [hbm:s8], $0x8  }
0x13: {  	_ =	swait.ge [sflag:s14], $0x8  }
0x14: {  	[sflag:s14] =	ssyncset.done $0x0  }
0x15: {  	[sflag:s14] =	ssyncadd.s32 $0xFFFFFFF8  }
0x16: {  	[smem:s7], [sflag:$0x1] =	stream.linear.gather [spmem:s6], $0x40, $0x38;
	[tilespmem:$0x19808] =	vst v63  }
0x17: {  	_ =	swait.ge [sflag:s14], $0x40  }
0x18: {  	[sflag:s14] =	ssyncset.done $0x0  }
0x19: {  	[sflag:s14] =	ssyncadd.s32 $0xFFFFFFC0  }
0x1a: {  	[tilespmem:s15], [sflag:$0x1] =	stream.linear.gather [hbm4b:s9+s7], $0xC000, $0x38;
	[tilespmem:$0x19808] =	vst v63  }
0x1b: {  	_ =	swait.ge [sflag:s14], $0xC000  }
0x1c: {  	[sflag:s14] =	ssyncset.done $0x0  }
0x1d: {  	s22 =	simm.s32 $0x40;
	s25 =	simm.s32 $0x0;
	[sflag:s14] =	ssyncadd.s32 $0xFFFF4000  }
.LBB2_2:
0x1e: {  	p0 =	sne.s32 s22, $0x1FFC0;
	[tilespmem:s25+$0xC008] =	vst v1;
	s23 =	smov.u32 s22;
	s22 =	sadd.s32 $0x40, s22  }
.Ltmp0:
0x1f: {  	(pc) =	sbr.rel @p0 .LBB2_2-.Ltmp0, $2  }
0x20: {  	_ =	sdelay $0x2  }
0x21: {  	s25 =	sshra.s32 s23, $0x2  }
0x22: {  	s22 =	sld [smem:s3+$0x0]  }
0x23: {  	s26 =	sld [smem:s3+$0x1];
	_ =	sdelay $0x1  }
0x24: {  	s23 =	sand.u32 $0xFFFFFFF8, s22  }
0x25: {  	s24 =	ssub.s32 s26, s23  }
0x26: {  	s24 =	sadd.s32 $0x7FF, s24  }
0x27: {  	s24 =	sshrl.u32 s24, $0xB  }
0x28: {  	p0 =	seq.s32 s24, $0x0  }
.Ltmp1:
0x29: {  	_ = 	snop;
	(pc) =	sbr.rel @p0 .LBB2_8-.Ltmp1, $2  }
0x2a: {  	_ =	sdelay $0x2  }
0x2b: {  	[tilespmem:s25+$0xC008] =	vst v1  }
0x2c: {  	v56 =	vmov s26  }
0x2d: {  	s25 =	simm.s32 $0x0;
	s26 =	smov.u32 s23;
	s28 =	simm.s32 $0x0;
	[tilespmem:$0x1FF30] =	vst v56  }
.LBB2_5:
0x2e: {  	s29 =	sshll.u32 s28, $0xB  }
0x2f: {  	s30 =	sadd.s32 s23, s29  }
0x30: {  	p0 =	slt.s32 s30, $0x7F800;
	s29 =	smov.u32 s30  }
0x31: {  	s29 =	simm.s32 @!p0 $0x7F800  }
0x32: {  	s29 =	sshrl.u32 s29, $0x3  }
0x33: {  	s31 =	sadd.s32 s1, s29  }
0x34: {  	[tilespmem:s17], [sflag:$0x1] =	stream.linear.gather [hbm4b:s31+s25], $0x800, $0x38;
	[tilespmem:$0x19808] =	vst v63  }
0x35: {  	_ =	swait.ge [sflag:s14], $0x800  }
0x36: {  	[sflag:s14] =	ssyncset.done $0x0  }
0x37: {  	s31 =	sadd.s32 s2, s29;
	[sflag:s14] =	ssyncadd.s32 $0xFFFFF800  }
0x38: {  	[tilespmem:s18], [sflag:$0x1] =	stream.linear.gather [hbm4b:s31+s25], $0x800, $0x38;
	[tilespmem:$0x19808] =	vst v63  }
0x39: {  	_ =	swait.ge [sflag:s14], $0x800  }
0x3a: {  	[sflag:s14] =	ssyncset.done $0x0  }
0x3b: {  	s29 =	sadd.s32 s4, s29;
	[sflag:s14] =	ssyncadd.s32 $0xFFFFF800  }
0x3c: {  	[tilespmem:s19], [sflag:$0x1] =	stream.linear.gather [hbm4b:s29+s25], $0x800, $0x38;
	[tilespmem:$0x19808] =	vst v63  }
0x3d: {  	_ =	swait.ge [sflag:s14], $0x800  }
0x3e: {  	[sflag:s14] =	ssyncset.done $0x0  }
0x3f: {  	s29 =	simm.s32 $0x0;
	[sflag:s14] =	ssyncadd.s32 $0xFFFFF800  }
0x40: {  	v1 =	vld [tilespmem:s29+$0x14808];
	_ =	sdelay $0x4  }
0x41: {  	v2 =	vmul.u32 $0xAAAB, v1;
	_ =	sdelay $0x1  }
0x42: {  	v2 =	vshrl.u32 v2, $0x19  }
0x43: {  	v2 =	vmul.u32 $0x3FFFD00, v2;
	_ =	sdelay $0x1  }
0x44: {  	v1 =	vadd.s32 v1, v2;
	v2 =	vld [tilespmem:$0x1FF40];
	_ =	sdelay $0x3  }
0x45: {  	v1 =	vshll.u32 v1, $0x6  }
0x46: {  	v2 =	vor.u32 v2, v1;
	_ =	sdelay $0x4  }
0x47: {  	v39 =	vor.u32 v9, v1;
	v2 =	vld.idx.msk [tilespmem:v2+s15+$0x0], $0xffff;
	_ =	sdelay $0x4  }
0x48: {  	v54 =	vor.u32 v15, v1;
	[tilespmem:$0x1FEF0] =	vst v2;
	v2 =	vld.idx.msk [tilespmem:v39+s15+$0x0], $0xffff;
	_ =	sdelay $0x1  }
0x49: {  	v5 =	vld [tilespmem:$0x1FF50];
	_ =	sdelay $0x1  }
0x4a: {  	v3 =	vor.u32 v11, v1  }
0x4b: {  	[tilespmem:$0x1FEE0] =	vst v2;
	v2 =	vld.idx.msk [tilespmem:v54+s15+$0x0], $0xffff  }
0x4c: {  	v4 =	vor.u32 v16, v1  }
0x4d: {  	v51 =	vld [tilespmem:s29+$0x14008];
	v5 =	vor.u32 v5, v1  }
0x4e: {  	v43 =	vld [tilespmem:s29+$0x15008];
	v35 =	vor.u32 v21, v1  }
0x4f: {  	v37 =	vor.u32 v22, v1;
	v19 =	vld.idx.msk [tilespmem:v3+s15+$0x0], $0xffff  }
0x50: {  	v44 =	vor.u32 v13, v1;
	[tilespmem:$0x1FF00] =	vst v2;
	v2 =	vld [tilespmem:$0x1FF80]  }
0x51: {  	v38 =	vor.u32 v25, v1;
	v6 =	vld.idx.msk [tilespmem:v4+s15+$0x0], $0xffff  }
0x52: {  	v40 =	vor.u32 v34, v1;
	v36 =	vld.idx.msk [tilespmem:v5+s15+$0x0], $0xffff  }
0x53: {  	v50 =	vor.u32 v41, v1;
	v42 =	vld.idx.msk [tilespmem:v35+s15+$0x0], $0xffff  }
0x54: {  	v52 =	vor.u32 v30, v1;
	v59 =	vld.idx.msk [tilespmem:v37+s15+$0x0], $0xffff  }
0x55: {  	v61 =	vor.u32 v2, v1;
	v2 =	vld.idx.msk [tilespmem:v44+s15+$0x0], $0xffff  }
0x56: {  	v57 =	vor.u32 v7, v1;
	v38 =	vld.idx.msk [tilespmem:v38+s15+$0x0], $0xffff  }
0x57: {  	v40 =	vld.idx.msk [tilespmem:v40+s15+$0x0], $0xffff  }
0x58: {  	v60 =	vor.u32 v29, v1;
	v46 =	vld.idx.msk [tilespmem:v50+s15+$0x0], $0xffff  }
0x59: {  	v55 =	vor.u32 v45, v1;
	v49 =	vld.idx.msk [tilespmem:v52+s15+$0x0], $0xffff  }
0x5a: {  	[tilespmem:$0x1FF20] =	vst v2;
	v2 =	vld [tilespmem:$0x1FF60]  }
0x5b: {  	v47 =	vor.u32 v23, v1;
	v50 =	vld.idx.msk [tilespmem:v57+s15+$0x0], $0xffff  }
0x5c: {  	p0 =	slt.s32 s26, $0x7F800;
	s29 =	smov.u32 s26;
	v62 =	vor.u32 v24, v1;
	v3 =	vld [tilespmem:$0x1FF70]  }
0x5d: {  	p1 =	sgt.s32 s22, s30;
	s29 =	simm.s32 @!p0 $0x7F800;
	v58 =	vor.u32 v14, v1;
	v52 =	vld.idx.msk [tilespmem:v60+s15+$0x0], $0xffff  }
0x5e: {  	s30 =	smov.u32 @p1 s22;
	v63 =	vadd.s32 s29, v0;
	v39 =	vld.idx.msk [tilespmem:v55+s15+$0x0], $0xffff;
	v54 =	vor.u32 v17, v1  }
0x5f: {  	v35 =	vor.u32 v12, v1;
	v55 =	vld.idx.msk [tilespmem:v61+s15+$0x0], $0xffff;
	v45 =	vor.u32 v2, v1;
	v2 =	vmov s30  }
0x60: {  	vm0 =	vlt.s32 v63, v56;
	v60 =	vor.u32 v26, v1;
	v61 =	vld.idx.msk [tilespmem:v47+s15+$0x0], $0xffff;
	vm1 =	vge.s32 v63, v2  }
0x61: {  	v4 =	vor.u32 v3, v1;
	v3 =	vor.u32 v53, v1;
	[tilespmem:$0x1FED0] =	vst v2;
	v2 =	vld.idx.msk [tilespmem:v62+s15+$0x0], $0xffff;
	vm0 =	vmand vm1, vm0  }
0x62: {  	v57 =	vld.idx.msk [tilespmem:v58+s15+$0x0], $0xffff;
	v58 =	vor.u32 v32, v1;
	v41 =	vnsel vm0, $0x0, v43  }
0x63: {  	v7 =	vmul.f32 v42, v41;
	v42 =	vld.idx.msk [tilespmem:v54+s15+$0x0], $0xffff  }
0x64: {  	v44 =	vor.u32 v0, v1;
	v10 =	vmul.f32 v6, v41;
	v6 =	vld.idx.msk [tilespmem:v35+s15+$0x0], $0xffff  }
0x65: {  	v63 =	vor.u32 v33, v1;
	v31 =	vmul.f32 v49, v41;
	v49 =	vmul.f32 v61, v41;
	v61 =	vld.idx.msk [tilespmem:v60+s15+$0x0], $0xffff  }
0x66: {  	v35 =	vmul.f32 v46, v41;
	v46 =	vld.idx.msk [tilespmem:v3+s15+$0x0], $0xffff;
	[tilespmem:$0x1FF10] =	vst v2;
	v2 =	vor.u32 v28, v1  }
0x67: {  	v3 =	vmul.f32 v19, v41;
	v19 =	vld.idx.msk [tilespmem:v58+s15+$0x0], $0xffff  }
0x68: {  	v48 =	vor.u32 v18, v1;
	v54 =	vsub.s32 v51, v8;
	v5 =	vld.idx.msk [tilespmem:v45+s15+$0x0], $0xffff  }
0x69: {  	v62 =	vor.u32 v27, v1;
	v43 =	vshll.u32 v54, $0x6;
	v1 =	vld.idx.msk [tilespmem:v44+s15+$0x0], $0xffff  }
0x6a: {  	v44 =	vld.idx.msk [tilespmem:v63+s15+$0x0], $0xffff;
	v43 =	vor.u32 v0, v43  }
0x6b: {  	v43 =	vsel vm0, v43, v0;
	v63 =	vld.idx.msk [tilespmem:v2+s15+$0x0], $0xffff  }
0x6c: {  	v2 =	vld [tilespmem:$0x1FEE0]  }
0x6d: {  	v45 =	vld.idx.msk [tilespmem:v48+s15+$0x0], $0xffff;
	v48 =	vmul.f32 v36, v41;
	v36 =	vmul.f32 v39, v41  }
0x6e: {  	v39 =	vmul.f32 v52, v41;
	v52 =	vld.idx.msk [tilespmem:v4+s15+$0x0], $0xffff;
	v1 =	vmul.f32 v41, v1  }
0x6f: {  	v37 =	vmul.f32 v38, v41;
	v38 =	vmul.f32 v55, v41;
	v55 =	vld.idx.msk [tilespmem:v62+s15+$0x0], $0xffff  }
0x70: {  	[tilespmem:v43+s20+$0x0] =	vst.idx.add.f32.msk $0xffff, v1  }
0x71: {  	v56 =	vmul.f32 v2, v41;
	v2 =	vld [tilespmem:$0x1FEF0]  }
0x72: {  	v1 =	vld [tilespmem:$0x1FF00]  }
0x73: {  	v51 =	vadd.s32 $0x1, v43  }
0x74: {  	v20 =	vmul.f32 v40, v41;
	v40 =	vmul.f32 v57, v41;
	v57 =	vadd.s32 $0x2, v43  }
0x75: {  	v62 =	vadd.s32 $0x3, v43  }
0x76: {  	v60 =	vmul.f32 v2, v41  }
0x77: {  	v53 =	vmul.f32 v6, v41;
	v6 =	vld [tilespmem:$0x1FF10];
	v1 =	vmul.f32 v1, v41  }
0x78: {  	[tilespmem:v51+s20+$0x0] =	vst.idx.add.f32.msk $0xffff, v60  }
0x79: {  	[tilespmem:v57+s20+$0x0] =	vst.idx.add.f32.msk $0xffff, v1  }
0x7a: {  	[tilespmem:v62+s20+$0x0] =	vst.idx.add.f32.msk $0xffff, v3  }
0x7b: {  	v30 =	vmul.f32 v50, v41;
	v3 =	vld [tilespmem:$0x1FF20]  }
0x7c: {  	v50 =	vmul.f32 v59, v41;
	v59 =	vadd.s32 $0x8, v43;
	v4 =	vadd.s32 $0x4, v43  }
0x7d: {  	v61 =	vmul.f32 v61, v41;
	v54 =	vmul.f32 v5, v41;
	v5 =	vadd.s32 $0x5, v43  }
0x7e: {  	v58 =	vmul.f32 v6, v41;
	v6 =	vadd.s32 $0x6, v43;
	v2 =	vand.u32 $0x7, v43  }
0x7f: {  	v51 =	vmul.f32 v44, v41;
	v57 =	vmul.f32 v63, v41;
	v63 =	vadd.s32 $0x7, v43  }
0x80: {  	v1 =	vand.u32 $0xFFFFFFD8, v59;
	v59 =	vmul.f32 v19, v41;
	v47 =	vmul.f32 v3, v41  }
0x81: {  	v60 =	vadd.s32 $0xD, v43;
	v62 =	vmul.f32 v45, v41;
	v1 =	vor.u32 v2, v1;
	[tilespmem:v4+s20+$0x0] =	vst.idx.add.f32.msk $0xffff, v53  }
0x82: {  	v2 =	vmul.f32 v42, v41;
	v4 =	vadd.s32 $0xA, v43;
	v3 =	vadd.s32 $0x9, v43;
	[tilespmem:v5+s20+$0x0] =	vst.idx.add.f32.msk $0xffff, v47  }
0x83: {  	s30 =	simm.s32 $0x40;
	v53 =	vmul.f32 v46, v41;
	v5 =	vadd.s32 $0xB, v43;
	[tilespmem:v6+s20+$0x0] =	vst.idx.add.f32.msk $0xffff, v40;
	v6 =	vadd.s32 $0xC, v43  }
.LBB2_6:
0x84: {  	_ = 	snop  }
0x85: {  	[tilespmem:v63+s20+$0x0] =	vst.idx.add.f32.msk $0xffff, v48  }
0x86: {  	[tilespmem:v1+s20+$0x0] =	vst.idx.add.f32.msk $0xffff, v10  }
0x87: {  	v1 =	vadd.s32 $0xE, v43;
	[tilespmem:v3+s20+$0x0] =	vst.idx.add.f32.msk $0xffff, v2  }
0x88: {  	v2 =	vadd.s32 $0xF, v43;
	[tilespmem:v4+s20+$0x0] =	vst.idx.add.f32.msk $0xffff, v62  }
0x89: {  	v3 =	vor.u32 $0x10, v43;
	[tilespmem:v5+s20+$0x0] =	vst.idx.add.f32.msk $0xffff, v56  }
0x8a: {  	v4 =	vadd.s32 $0x11, v43;
	[tilespmem:v6+s20+$0x0] =	vst.idx.add.f32.msk $0xffff, v54  }
0x8b: {  	v6 =	vadd.s32 $0x12, v43;
	[tilespmem:v60+s20+$0x0] =	vst.idx.add.f32.msk $0xffff, v7  }
0x8c: {  	v56 =	vadd.s32 $0x13, v43;
	[tilespmem:v1+s20+$0x0] =	vst.idx.add.f32.msk $0xffff, v50  }
0x8d: {  	v1 =	vadd.s32 $0x14, v43;
	[tilespmem:v2+s20+$0x0] =	vst.idx.add.f32.msk $0xffff, v49  }
0x8e: {  	v2 =	vadd.s32 $0x15, v43;
	[tilespmem:v3+s20+$0x0] =	vst.idx.add.f32.msk $0xffff, v58  }
0x8f: {  	v47 =	vmul.f32 v55, v41;
	v3 =	vadd.s32 $0x16, v43;
	[tilespmem:v4+s20+$0x0] =	vst.idx.add.f32.msk $0xffff, v37  }
0x90: {  	v4 =	vadd.s32 $0x17, v43;
	[tilespmem:v6+s20+$0x0] =	vst.idx.add.f32.msk $0xffff, v61  }
0x91: {  	v6 =	vadd.s32 $0x18, v43;
	[tilespmem:v56+s20+$0x0] =	vst.idx.add.f32.msk $0xffff, v47  }
0x92: {  	v5 =	vmul.f32 v52, v41;
	v60 =	vadd.s32 $0x19, v43;
	[tilespmem:v1+s20+$0x0] =	vst.idx.add.f32.msk $0xffff, v57  }
0x93: {  	v1 =	vadd.s32 $0x1A, v43;
	[tilespmem:v2+s20+$0x0] =	vst.idx.add.f32.msk $0xffff, v39  }
0x94: {  	v2 =	vadd.s32 $0x1B, v43;
	[tilespmem:v3+s20+$0x0] =	vst.idx.add.f32.msk $0xffff, v5  }
0x95: {  	v3 =	vadd.s32 $0x1C, v43;
	[tilespmem:v4+s20+$0x0] =	vst.idx.add.f32.msk $0xffff, v38  }
0x96: {  	v4 =	vadd.s32 $0x1D, v43;
	[tilespmem:v6+s20+$0x0] =	vst.idx.add.f32.msk $0xffff, v59  }
0x97: {  	v5 =	vadd.s32 $0x1E, v43;
	[tilespmem:v60+s20+$0x0] =	vst.idx.add.f32.msk $0xffff, v51  }
0x98: {  	v6 =	vadd.s32 $0x1F, v43;
	[tilespmem:v1+s20+$0x0] =	vst.idx.add.f32.msk $0xffff, v20  }
0x99: {  	[tilespmem:v2+s20+$0x0] =	vst.idx.add.f32.msk $0xffff, v30  }
0x9a: {  	[tilespmem:v3+s20+$0x0] =	vst.idx.add.f32.msk $0xffff, v31  }
0x9b: {  	[tilespmem:v4+s20+$0x0] =	vst.idx.add.f32.msk $0xffff, v35  }
0x9c: {  	s31 =	smov.u32 s30;
	[tilespmem:v5+s20+$0x0] =	vst.idx.add.f32.msk $0xffff, v36  }
0x9d: {  	s31 =	sshra.s32 s31, $0x2;
	[tilespmem:v6+s20+$0x0] =	vst.idx.add.f32.msk $0xffff, v53  }
0x9e: {  	v1 =	vld [tilespmem:s31+$0x14808];
	_ =	sdelay $0x4  }
0x9f: {  	v2 =	vmul.u32 $0xAAAB, v1;
	_ =	sdelay $0x1  }
0xa0: {  	v7 =	vld [tilespmem:$0x1FF50];
	v2 =	vshrl.u32 v2, $0x19  }
0xa1: {  	v2 =	vmul.u32 $0x3FFFD00, v2;
	_ =	sdelay $0x1  }
0xa2: {  	v1 =	vadd.s32 v1, v2  }
0xa3: {  	v1 =	vshll.u32 v1, $0x6  }
0xa4: {  	v61 =	vor.u32 v7, v1;
	v7 =	vld [tilespmem:$0x1FED0];
	_ =	sdelay $0x2  }
0xa5: {  	s29 =	sadd.s32 $0x10, s29  }
0xa6: {  	v2 =	vadd.s32 s29, v0  }
0xa7: {  	vm1 =	vge.s32 v2, v7;
	v7 =	vld [tilespmem:$0x1FF60];
	_ =	sdelay $0x4  }
0xa8: {  	v46 =	vor.u32 v7, v1;
	v7 =	vld [tilespmem:$0x1FF80];
	_ =	sdelay $0x4  }
0xa9: {  	v55 =	vor.u32 v7, v1;
	v7 =	vld [tilespmem:$0x1FFF0];
	_ =	sdelay $0x4  }
0xaa: {  	v60 =	vor.u32 v7, v1;
	v7 =	vld [tilespmem:$0x1FFD0];
	_ =	sdelay $0x3  }
0xab: {  	v37 =	vld.idx.msk [tilespmem:v61+s15+$0x0], $0xffff  }
0xac: {  	v61 =	vor.u32 v7, v1;
	v7 =	vld [tilespmem:$0x1FFB0]  }
0xad: {  	v4 =	vld [tilespmem:$0x1FF40]  }
0xae: {  	v6 =	vld [tilespmem:$0x1FF30]  }
0xaf: {  	v39 =	vld [tilespmem:s31+$0x14008]  }
0xb0: {  	v63 =	vor.u32 v21, v1  }
0xb1: {  	v35 =	vor.u32 v7, v1;
	v7 =	vld [tilespmem:$0x1FFC0]  }
0xb2: {  	v4 =	vor.u32 v4, v1  }
0xb3: {  	v19 =	vld [tilespmem:$0x1FF70];
	vm0 =	vlt.s32 v2, v6;
	v6 =	vor.u32 v11, v1  }
0xb4: {  	v40 =	vld [tilespmem:s31+$0x15008];
	v39 =	vsub.s32 v39, v8;
	v3 =	vor.u32 v0, v1;
	v62 =	vor.u32 v16, v1  }
0xb5: {  	v5 =	vor.u32 v9, v1;
	v43 =	vor.u32 v12, v1;
	v42 =	vor.u32 v22, v1;
	v58 =	vld.idx.msk [tilespmem:v63+s15+$0x0], $0xffff  }
0xb6: {  	v36 =	vor.u32 v14, v1;
	v45 =	vor.u32 v25, v1;
	v63 =	vor.u32 v7, v1;
	v7 =	vld [tilespmem:$0x1FFE0]  }
0xb7: {  	v44 =	vor.u32 v18, v1;
	v49 =	vor.u32 v23, v1;
	v50 =	vor.u32 v24, v1;
	v4 =	vld.idx.msk [tilespmem:v4+s15+$0x0], $0xffff  }
0xb8: {  	v51 =	vor.u32 v26, v1;
	v52 =	vor.u32 v27, v1;
	v47 =	vor.u32 v34, v1;
	v6 =	vld.idx.msk [tilespmem:v6+s15+$0x0], $0xffff  }
0xb9: {  	v53 =	vor.u32 v28, v1;
	v54 =	vor.u32 v29, v1;
	v57 =	vor.u32 v19, v1;
	v38 =	vld.idx.msk [tilespmem:v62+s15+$0x0], $0xffff  }
0xba: {  	v59 =	vor.u32 v32, v1;
	v56 =	vor.u32 v33, v1;
	v2 =	vor.u32 v17, v1;
	v62 =	vld.idx.msk [tilespmem:v42+s15+$0x0], $0xffff  }
0xbb: {  	v42 =	vor.u32 v15, v1;
	v8 =	vld.idx.msk [tilespmem:v45+s15+$0x0], $0xffff;
	v7 =	vor.u32 v7, v1;
	v1 =	vor.u32 v13, v1  }
0xbc: {  	v5 =	vld.idx.msk [tilespmem:v5+s15+$0x0], $0xffff  }
0xbd: {  	v47 =	vld.idx.msk [tilespmem:v47+s15+$0x0], $0xffff  }
0xbe: {  	v54 =	vld.idx.msk [tilespmem:v54+s15+$0x0], $0xffff  }
0xbf: {  	v49 =	vld.idx.msk [tilespmem:v49+s15+$0x0], $0xffff  }
0xc0: {  	v1 =	vld.idx.msk [tilespmem:v1+s15+$0x0], $0xffff  }
0xc1: {  	v3 =	vld.idx.msk [tilespmem:v3+s15+$0x0], $0xffff;
	vm0 =	vmand vm1, vm0  }
0xc2: {  	v59 =	vld.idx.msk [tilespmem:v59+s15+$0x0], $0xffff;
	v41 =	vnsel vm0, $0x0, v40  }
0xc3: {  	v39 =	vshll.u32 v39, $0x6;
	v19 =	vmul.f32 v58, v41;
	v58 =	vld.idx.msk [tilespmem:v36+s15+$0x0], $0xffff  }
0xc4: {  	v9 =	vor.u32 v0, v39;
	v2 =	vld.idx.msk [tilespmem:v2+s15+$0x0], $0xffff  }
0xc5: {  	v10 =	vmul.f32 v38, v41;
	v38 =	vld.idx.msk [tilespmem:v43+s15+$0x0], $0xffff;
	[tilespmem:$0x1FEA0] =	vst v1;
	v1 =	vmul.f32 v8, v41  }
0xc6: {  	v43 =	vsel vm0, v9, v0;
	v9 =	vld.idx.msk [tilespmem:v53+s15+$0x0], $0xffff  }
0xc7: {  	[tilespmem:$0x1FEB0] =	vst v1;
	v1 =	vld.idx.msk [tilespmem:v63+s15+$0x0], $0xffff  }
0xc8: {  	v55 =	vld.idx.msk [tilespmem:v55+s15+$0x0], $0xffff  }
0xc9: {  	v35 =	vld.idx.msk [tilespmem:v35+s15+$0x0], $0xffff  }
0xca: {  	v48 =	vmul.f32 v37, v41;
	v37 =	vld.idx.msk [tilespmem:v61+s15+$0x0], $0xffff  }
0xcb: {  	v61 =	vld.idx.msk [tilespmem:v42+s15+$0x0], $0xffff  }
0xcc: {  	v36 =	vmul.f32 v1, v41;
	v1 =	vld.idx.msk [tilespmem:v46+s15+$0x0], $0xffff  }
0xcd: {  	v49 =	vmul.f32 v49, v41;
	v8 =	vld.idx.msk [tilespmem:v60+s15+$0x0], $0xffff  }
0xce: {  	v4 =	vmul.f32 v4, v41;
	v20 =	vmul.f32 v35, v41;
	v35 =	vmovc v24;
	v24 =	vmov v13;
	v13 =	vld.idx.msk [tilespmem:v51+s15+$0x0], $0xffff  }
0xcf: {  	v45 =	vmovc v29;
	v29 =	vmov v18;
	v6 =	vmul.f32 v6, v41;
	v3 =	vmul.f32 v41, v3;
	v7 =	vld.idx.msk [tilespmem:v7+s15+$0x0], $0xffff  }
0xd0: {  	v40 =	vmov v33;
	[tilespmem:$0x1FEC0] =	vst v19;
	v19 =	vmul.f32 v47, v41;
	v47 =	vmul.f32 v54, v41;
	v60 =	vld.idx.msk [tilespmem:v50+s15+$0x0], $0xffff  }
0xd1: {  	v33 =	vmovc v22;
	v50 =	vmul.f32 v62, v41;
	v62 =	vld.idx.msk [tilespmem:v56+s15+$0x0], $0xffff;
	v54 =	vmul.f32 v1, v41;
	v1 =	vadd.s32 $0x1, v43  }
0xd2: {  	v22 =	vmovc v11;
	v59 =	vmul.f32 v59, v41;
	v53 =	vadd.s32 $0x2, v43;
	v30 =	vmul.f32 v8, v41;
	v8 =	vld.idx.msk [tilespmem:v44+s15+$0x0], $0xffff  }
0xd3: {  	v0 =	vmovc v25;
	v25 =	vmov v14;
	v11 =	vmul.f32 v58, v41;
	v46 =	vmul.f32 v55, v41;
	v55 =	vld.idx.msk [tilespmem:v52+s15+$0x0], $0xffff  }
0xd4: {  	v18 =	vadd.s32 $0x6, v43;
	v14 =	vmul.f32 v38, v41;
	v38 =	vmovc v28;
	v28 =	vmovc v17;
	v17 =	vadd.s32 $0x5, v43;
	v52 =	vld.idx.msk [tilespmem:v57+s15+$0x0], $0xffff  }
0xd5: {  	v2 =	vmul.f32 v2, v41;
	v42 =	vmov v15;
	[tilespmem:v43+s20+$0x0] =	vst.idx.add.f32.msk $0xffff, v3;
	v3 =	vmul.f32 v61, v41  }
0xd6: {  	v15 =	vand.u32 $0x7, v43;
	v31 =	vmul.f32 v37, v41;
	v37 =	vmovc v27;
	v27 =	vmov v16;
	[tilespmem:v1+s20+$0x0] =	vst.idx.add.f32.msk $0xffff, v4  }
0xd7: {  	v16 =	vadd.s32 $0x4, v43;
	v44 =	vmovc v34;
	v34 =	vmovc v23;
	v23 =	vmov v12;
	v12 =	vadd.s32 $0x3, v43;
	[tilespmem:v53+s20+$0x0] =	vst.idx.add.f32.msk $0xffff, v3  }
0xd8: {  	v56 =	vmul.f32 v5, v41;
	v5 =	vadd.s32 $0x8, v43;
	v58 =	vmul.f32 v60, v41;
	v3 =	vld [tilespmem:$0x1FEA0]  }
0xd9: {  	v63 =	vadd.s32 $0x7, v43;
	v51 =	vmul.f32 v62, v41;
	v57 =	vmul.f32 v9, v41;
	v9 =	vld [tilespmem:$0x1FF90]  }
0xda: {  	v39 =	vmovc v47;
	v60 =	vadd.s32 $0xD, v43;
	v61 =	vmul.f32 v13, v41;
	v13 =	vmovc v24;
	v62 =	vmul.f32 v8, v41;
	v8 =	vld [tilespmem:$0x1FFA0]  }
0xdb: {  	p0 =	sne.s32 s30, $0x1FC0;
	v24 =	vmovc v35;
	v35 =	vmovc v20;
	v20 =	vmov v19;
	v1 =	vand.u32 $0xFFFFFFD8, v5;
	v53 =	vmul.f32 v7, v41;
	v7 =	vld [tilespmem:$0x1FEC0]  }
.Ltmp2:
0xdc: {  	v4 =	vadd.s32 $0xA, v43;
	v1 =	vor.u32 v15, v1;
	v15 =	vmovc v42;
	[tilespmem:v12+s20+$0x0] =	vst.idx.add.f32.msk $0xffff, v6;
	v12 =	vmov v23;
	(pc) =	sbr.rel @p0 .LBB2_6-.Ltmp2, $4  }
0xdd: {  	v23 =	vmovc v34;
	v34 =	vmov v44;
	v6 =	vadd.s32 $0xC, v43;
	[tilespmem:v16+s20+$0x0] =	vst.idx.add.f32.msk $0xffff, v14;
	v5 =	vmul.f32 v3, v41  }
0xde: {  	v16 =	vmovc v27;
	v27 =	vmovc v37;
	v37 =	vld [tilespmem:$0x1FEB0];
	v14 =	vmov v25;
	v25 =	vmov v0;
	v0 =	vlaneseq.u32  }
0xdf: {  	v3 =	vadd.s32 $0x9, v43;
	[tilespmem:v17+s20+$0x0] =	vst.idx.add.f32.msk $0xffff, v5;
	v17 =	vmovc v28;
	v28 =	vmovc v38;
	v38 =	vmov v46;
	v5 =	vadd.s32 $0xB, v43  }
0xe0: {  	s30 =	sadd.s32 $0x40, s30;
	[tilespmem:v18+s20+$0x0] =	vst.idx.add.f32.msk $0xffff, v11;
	v18 =	vmovc v29;
	v29 =	vmovc v45;
	v11 =	vmov v22;
	v22 =	vmov v33;
	v33 =	vmov v40  }
0xe1: {  	_ =	sdelay $0x3  }
0xe2: {  	[tilespmem:v63+s20+$0x0] =	vst.idx.add.f32.msk $0xffff, v48  }
0xe3: {  	v45 =	vld [tilespmem:$0x1FFC0]  }
0xe4: {  	[tilespmem:v1+s20+$0x0] =	vst.idx.add.f32.msk $0xffff, v10  }
0xe5: {  	[tilespmem:v3+s20+$0x0] =	vst.idx.add.f32.msk $0xffff, v2  }
0xe6: {  	v1 =	vadd.s32 $0xE, v43;
	[tilespmem:v4+s20+$0x0] =	vst.idx.add.f32.msk $0xffff, v62  }
0xe7: {  	v2 =	vadd.s32 $0xF, v43;
	[tilespmem:v5+s20+$0x0] =	vst.idx.add.f32.msk $0xffff, v56  }
0xe8: {  	v3 =	vor.u32 $0x10, v43;
	v56 =	vld [tilespmem:$0x1FF30]  }
0xe9: {  	v4 =	vadd.s32 $0x11, v43;
	[tilespmem:v6+s20+$0x0] =	vst.idx.add.f32.msk $0xffff, v54  }
0xea: {  	v5 =	vadd.s32 $0x12, v43;
	[tilespmem:v60+s20+$0x0] =	vst.idx.add.f32.msk $0xffff, v7  }
0xeb: {  	v6 =	vadd.s32 $0x13, v43;
	[tilespmem:v1+s20+$0x0] =	vst.idx.add.f32.msk $0xffff, v50  }
0xec: {  	[tilespmem:v2+s20+$0x0] =	vst.idx.add.f32.msk $0xffff, v49  }
0xed: {  	v1 =	vadd.s32 $0x14, v43;
	[tilespmem:v3+s20+$0x0] =	vst.idx.add.f32.msk $0xffff, v58  }
0xee: {  	v2 =	vadd.s32 $0x15, v43;
	v3 =	vmul.f32 v55, v41;
	[tilespmem:v4+s20+$0x0] =	vst.idx.add.f32.msk $0xffff, v37  }
0xef: {  	v7 =	vadd.s32 $0x16, v43;
	[tilespmem:v5+s20+$0x0] =	vst.idx.add.f32.msk $0xffff, v61  }
0xf0: {  	[tilespmem:v6+s20+$0x0] =	vst.idx.add.f32.msk $0xffff, v3  }
0xf1: {  	v4 =	vadd.s32 $0x17, v43;
	v3 =	vmul.f32 v52, v41;
	v41 =	vld [tilespmem:$0x1FFB0]  }
0xf2: {  	v5 =	vadd.s32 $0x18, v43;
	[tilespmem:v1+s20+$0x0] =	vst.idx.add.f32.msk $0xffff, v57  }
0xf3: {  	v6 =	vadd.s32 $0x19, v43;
	[tilespmem:v2+s20+$0x0] =	vst.idx.add.f32.msk $0xffff, v39  }
0xf4: {  	v1 =	vadd.s32 $0x1A, v43;
	[tilespmem:v7+s20+$0x0] =	vst.idx.add.f32.msk $0xffff, v3  }
0xf5: {  	v2 =	vadd.s32 $0x1B, v43;
	v7 =	vld [tilespmem:$0x1FFF0]  }
0xf6: {  	[tilespmem:v4+s20+$0x0] =	vst.idx.add.f32.msk $0xffff, v38  }
0xf7: {  	v3 =	vadd.s32 $0x1C, v43;
	[tilespmem:v5+s20+$0x0] =	vst.idx.add.f32.msk $0xffff, v59  }
0xf8: {  	v4 =	vadd.s32 $0x1D, v43;
	[tilespmem:v6+s20+$0x0] =	vst.idx.add.f32.msk $0xffff, v51  }
0xf9: {  	v5 =	vadd.s32 $0x1E, v43;
	[tilespmem:v1+s20+$0x0] =	vst.idx.add.f32.msk $0xffff, v20  }
0xfa: {  	s28 =	sadd.s32 $0x1, s28;
	v6 =	vadd.s32 $0x1F, v43;
	[tilespmem:v2+s20+$0x0] =	vst.idx.add.f32.msk $0xffff, v30  }
0xfb: {  	p0 =	sne.s32 s28, s24;
	v30 =	vld [tilespmem:$0x1FFD0]  }
.Ltmp3:
0xfc: {  	[tilespmem:v3+s20+$0x0] =	vst.idx.add.f32.msk $0xffff, v31;
	(pc) =	sbr.rel @p0 .LBB2_5-.Ltmp3, $4  }
0xfd: {  	[tilespmem:v4+s20+$0x0] =	vst.idx.add.f32.msk $0xffff, v35  }
0xfe: {  	[tilespmem:v5+s20+$0x0] =	vst.idx.add.f32.msk $0xffff, v36  }
0xff: {  	[tilespmem:v6+s20+$0x0] =	vst.idx.add.f32.msk $0xffff, v53  }
0x100: {  	s26 =	sadd.s32 $0x800, s26;
	v53 =	vld [tilespmem:$0x1FFE0]  }
.LBB2_8:
0x101: {  	s22 =	simm.s32 $0xC028  }
0x102: {  	v1 =	vld [tilespmem:s22+$0x0]  }
0x103: {  	v2 =	vld [tilespmem:s22+$0xFFFFFFE0]  }
0x104: {  	v3 =	vld [tilespmem:s22+$0x10]  }
0x105: {  	v4 =	vld [tilespmem:s22+$0xFFFFFFF0];
	_ =	sdelay $0x2  }
0x106: {  	v2 =	vadd.f32 v1, v2  }
0x107: {  	s24 =	simm.s32 $0x0  }
0x108: {  	s23 =	simm.s32 $0x80;
	v1 =	vadd.f32 v3, v4;
	[tilespmem:s24+$0x15808] =	vst v2  }
.LBB2_9:
0x109: {  	p0 =	sne.s32 s23, $0xFF80  }
0x10a: {  	[tilespmem:s24+$0x15818] =	vst v1;
	s22 =	sadd.s32 $0x40, s22;
	s24 =	smov.u32 s23;
	s23 =	sadd.s32 $0x80, s23  }
0x10b: {  	v1 =	vld [tilespmem:s22+$0x0]  }
0x10c: {  	v2 =	vld [tilespmem:s22+$0x10]  }
0x10d: {  	v3 =	vld [tilespmem:s22+$0xFFFFFFE0]  }
0x10e: {  	v4 =	vld [tilespmem:s22+$0xFFFFFFF0];
	_ =	sdelay $0x1  }
.Ltmp4:
0x10f: {  	(pc) =	sbr.rel @p0 .LBB2_9-.Ltmp4, $4  }
0x110: {  	_ = 	snop  }
0x111: {  	v3 =	vadd.f32 v1, v3  }
0x112: {  	s24 =	sshra.s32 s24, $0x2;
	v1 =	vadd.f32 v2, v4  }
0x113: {  	[tilespmem:s24+$0x15808] =	vst v3  }
0x114: {  	s21 =	sadd.s32 $0x1, s21  }
0x115: {  	p0 =	sne.s32 s21, s12  }
.Ltmp5:
0x116: {  	[tilespmem:s24+$0x15818] =	vst v1;
	(pc) =	sbr.rel @p0 .LBB2_1-.Ltmp5, $4  }
0x117: {  	[hbm4b:s11+s7] =	stream.linear.scatter [tilespmem:s16], [sflag:$0x1], $0x4000, $0x38;
	[tilespmem:$0x19808] =	vst v63  }
0x118: {  	_ =	swait.ge [sflag:s14], $0x4000  }
0x119: {  	[sflag:s14] =	ssyncset.done $0x0  }
0x11a: {  	v1 =	vimm.f32 $0.0e+00;
	[sflag:s14] =	ssyncadd.s32 $0xFFFFC000  }
0x11b: {  	_ =	sfence.sel $0x180000  }
0x11c: {  	[bflag:$0x0] =	sbarrier.arrive $0xFFFF  }
0x11d: {  	p0 =	sne.s32 s0, $0x0;
	_ =	strace $0x90000047  }
0x11e: {  	s0 =	sadd.s32 @!p0 $0x100000, s5;
	[bflag:$0x2] =	sbarrier.arrive $0xFFFF  }
0x11f: {  	[sflag:s0] =	ssyncadd.tile.s32 @!p0 $0x1;
	_ =	shalt  }
.Lfunc_end2:
_tile_overlayer_lowered:
.L_overlay_start_2:
0x120: {  	(tag) =	ssettag $0x2  }
0x121: {  	s0 =	rddreg [dreg:$0x0];
	s2 =	stileid.u32  }
0x122: {  	s1 =	rddreg [dreg:$0x1];
	p0 =	sne.s32 s2, $0x0  }
0x123: {  	s3 =	rddreg [dreg:$0x2];
	[bflag:$0x3] =	sbarrier.arrive $0xFFFF;
	s2 =	simm.s32 @!p0 $0x1C01  }
0x124: {  	[timem:s3], [sflag:s2] =	dma.local @!p0 [hbm:s0], s1  }
0x125: {  	s0 =	simm.s32 @!p0 $0x1  }
0x126: {  	_ =	swait.ge @!p0 [sflag:s0], s1  }
0x127: {  	s1 =	ssub.s32 @!p0 $0x0, s1;
	[sflag:s0] =	ssyncset.done @!p0 $0x0  }
0x128: {  	[sflag:s0] =	ssyncadd.s32 @!p0 s1  }
0x129: {  	[bflag:$0x3] =	sbarrier.arrive $0xFFFF  }
0x12a: {  	_ =	shalt  }

</sc_bundles>
